<compile_context>
chip_gen: v7x
topology: tpu7x:2x2x1
jax: 0.10.2.dev20260603
libtpu: 0.0.44.dev20260713+nightly
codegen_flags: <defaults>
</compile_context>

<pallas_src>
import jax
import jax.numpy as jnp
from jax import lax
from jax.experimental import pallas as pl
from jax.experimental.pallas import tpu as pltpu
from jax.experimental.pallas import tpu_sc as plsc

N0 = 10000
N1 = 10000
E = 320000
D = 128
DE = 16
H = 128

NC = 2
NS = 16
NW = NC * NS
CHUNK = 128
KP = 80
G = 8
EPW = KP * CHUNK
E_PAD = NW * EPW
N1_PAD = 10240
DEW = 128
RPS = N1_PAD // NS


def _emb_body(x0_ref, w0_ref, b0_ref, x1_ref, w1_ref, b1_ref, h0_ref, h1_ref):
    h0_ref[...] = (
        jnp.dot(x0_ref[...], w0_ref[...], preferred_element_type=jnp.float32)
        + b0_ref[...]
    )
    h1_ref[...] = (
        jnp.dot(x1_ref[...], w1_ref[...], preferred_element_type=jnp.float32)
        + b1_ref[...]
    )


def _out_body(h1_ref, s_ref, t_ref, we_ref, wagg_ref, bagg_ref, o_ref):
    s = s_ref[0, :N1, :] + s_ref[1, :N1, :]
    t = t_ref[0, :N1, :DE] + t_ref[1, :N1, :DE]
    w2 = jnp.dot(we_ref[...], wagg_ref[...], preferred_element_type=jnp.float32)
    acc = jnp.dot(s, wagg_ref[...], preferred_element_type=jnp.float32) + jnp.dot(
        t, w2, preferred_element_type=jnp.float32
    )
    o_ref[...] = jnp.maximum(h1_ref[...] + acc + bagg_ref[...], 0.0)


def _sc_s_body(
    h0_hbm,
    src_hbm,
    dst_hbm,
    iota_hbm,
    s_out,
    acc_s,
    src_v,
    dst_v,
    rows_v0,
    rows_v1,
    sem0,
    sem1,
):
    c = lax.axis_index("c")
    s = lax.axis_index("s")
    wid = s * NC + c

    zf = jnp.zeros((16,), jnp.float32)

    @pl.loop(0, CHUNK)
    def _(r):
        @pl.loop(0, H, step=16)
        def _(col):
            rows_v0[r, pl.ds(col, 16)] = zf

    kps = RPS // CHUNK
    pltpu.sync_copy(iota_hbm.at[s], dst_v)

    @pl.loop(0, kps)
    def _(k):
        pltpu.sync_copy(rows_v0, acc_s.at[dst_v.at[k]])

    plsc.subcore_barrier()

    bufs = (rows_v0, rows_v1)
    sems = (sem0, sem1)

    @pl.loop(0, KP, step=G)
    def _(j0):
        pltpu.sync_copy(src_hbm.at[wid, pl.ds(j0, G)], src_v)
        pltpu.sync_copy(dst_hbm.at[wid, pl.ds(j0, G)], dst_v)
        descs = {0: pltpu.async_copy(h0_hbm.at[src_v.at[0]], bufs[0], sems[0])}
        for jj in range(G):
            descs[jj].wait()
            if jj + 1 < G:
                descs[jj + 1] = pltpu.async_copy(
                    h0_hbm.at[src_v.at[jj + 1]], bufs[(jj + 1) % 2], sems[(jj + 1) % 2]
                )
            pltpu.sync_copy(bufs[jj % 2], acc_s.at[dst_v.at[jj]], add=True)

    plsc.subcore_barrier()

    pltpu.sync_copy(iota_hbm.at[s], dst_v)

    @pl.loop(0, kps)
    def _(k):
        pltpu.sync_copy(acc_s.at[dst_v.at[k]], rows_v0)
        pltpu.sync_copy(rows_v0, s_out.at[c, pl.ds(s * RPS + k * CHUNK, CHUNK)])


def _sc_t_body(
    dst_hbm,
    ea_hbm,
    iota_hbm,
    t_out,
    acc_t,
    dst_v,
    ea_v0,
    ea_v1,
    sem0,
    sem1,
):
    c = lax.axis_index("c")
    s = lax.axis_index("s")
    wid = s * NC + c

    zf = jnp.zeros((16,), jnp.float32)

    @pl.loop(0, CHUNK)
    def _(r):
        @pl.loop(0, DEW, step=16)
        def _(col):
            ea_v0[r, pl.ds(col, 16)] = zf

    kps = RPS // CHUNK
    pltpu.sync_copy(iota_hbm.at[s], dst_v)

    @pl.loop(0, kps)
    def _(k):
        pltpu.sync_copy(ea_v0, acc_t.at[dst_v.at[k]])

    plsc.subcore_barrier()

    bufs = (ea_v0, ea_v1)
    sems = (sem0, sem1)

    @pl.loop(0, KP, step=G)
    def _(j0):
        pltpu.sync_copy(dst_hbm.at[wid, pl.ds(j0, G)], dst_v)
        descs = {0: pltpu.async_copy(ea_hbm.at[wid, j0], bufs[0], sems[0])}
        for jj in range(G):
            descs[jj].wait()
            if jj + 1 < G:
                descs[jj + 1] = pltpu.async_copy(
                    ea_hbm.at[wid, j0 + jj + 1], bufs[(jj + 1) % 2], sems[(jj + 1) % 2]
                )
            pltpu.sync_copy(bufs[jj % 2], acc_t.at[dst_v.at[jj]], add=True)

    plsc.subcore_barrier()

    pltpu.sync_copy(iota_hbm.at[s], dst_v)

    @pl.loop(0, kps)
    def _(k):
        pltpu.sync_copy(acc_t.at[dst_v.at[k]], ea_v0)
        pltpu.sync_copy(ea_v0, t_out.at[c, pl.ds(s * RPS + k * CHUNK, CHUNK)])


def _sc_segment_sums(h0, src_p, dst_p, ea_p, iota3d):
    mesh = plsc.VectorSubcoreMesh(
        core_axis_name="c", subcore_axis_name="s", num_cores=NC, num_subcores=NS
    )
    run_s = pl.kernel(
        _sc_s_body,
        out_type=jax.ShapeDtypeStruct((NC, N1_PAD, H), jnp.float32),
        mesh=mesh,
        scratch_types=[
            pltpu.VMEM_SHARED((N1_PAD, H), jnp.float32),
            pltpu.VMEM((G, CHUNK), jnp.int32),
            pltpu.VMEM((G, CHUNK), jnp.int32),
            pltpu.VMEM((CHUNK, H), jnp.float32),
            pltpu.VMEM((CHUNK, H), jnp.float32),
            pltpu.SemaphoreType.DMA,
            pltpu.SemaphoreType.DMA,
        ],
    )
    run_t = pl.kernel(
        _sc_t_body,
        out_type=jax.ShapeDtypeStruct((NC, N1_PAD, DEW), jnp.float32),
        mesh=mesh,
        scratch_types=[
            pltpu.VMEM_SHARED((N1_PAD, DEW), jnp.float32),
            pltpu.VMEM((G, CHUNK), jnp.int32),
            pltpu.VMEM((CHUNK, DEW), jnp.float32),
            pltpu.VMEM((CHUNK, DEW), jnp.float32),
            pltpu.SemaphoreType.DMA,
            pltpu.SemaphoreType.DMA,
        ],
    )
    return run_s(h0, src_p, dst_p, iota3d), run_t(dst_p, ea_p, iota3d)


def kernel(x0, x1, edge_index, edge_attr, W0, b0, W1, b1, W_e, W_agg, b_agg):
    x0 = x0.astype(jnp.float32)
    x1 = x1.astype(jnp.float32)
    edge_attr = edge_attr.astype(jnp.float32)

    h0, h1 = pl.pallas_call(
        _emb_body,
        out_shape=(
            jax.ShapeDtypeStruct((N0, H), jnp.float32),
            jax.ShapeDtypeStruct((N1, H), jnp.float32),
        ),
    )(x0, W0, b0.reshape(1, H), x1, W1, b1.reshape(1, H))

    pad = E_PAD - E
    src = edge_index[0].astype(jnp.int32)
    dst = edge_index[1].astype(jnp.int32)
    src_p = jnp.concatenate([src, jnp.zeros((pad,), jnp.int32)]).reshape(
        NW, KP, CHUNK
    )
    dst_p = jnp.concatenate([dst, jnp.full((pad,), N1, jnp.int32)]).reshape(
        NW, KP, CHUNK
    )
    ea_w = jnp.pad(edge_attr, ((0, pad), (0, DEW - DE)))
    ea_p = ea_w.reshape(NW, KP, CHUNK, DEW)

    iota2d = jnp.arange(N1_PAD, dtype=jnp.int32).reshape(
        NS, N1_PAD // NS // CHUNK, CHUNK
    )
    iota2d = jnp.pad(iota2d, ((0, 0), (0, G - N1_PAD // NS // CHUNK), (0, 0)),
                     mode="edge")
    s_part, t_part = _sc_segment_sums(h0, src_p, dst_p, ea_p, iota2d)

    out = pl.pallas_call(
        _out_body,
        out_shape=jax.ShapeDtypeStruct((N1, H), jnp.float32),
    )(h1, s_part, t_part, W_e, W_agg, b_agg.reshape(1, H))
    return out

# --- scband reference (transcript-rebuilt; emitter-appended) ---
"""Pipeline reference for scband-bipartite-gnn-34256659153308 (READ-ONLY COPY).

The authoritative reference and input builder live on the scoring server;
editing this copy changes nothing except your own understanding.
"""

import jax, jax.numpy as jnp
import numpy as np

N0 = 10000   # node_type_0 count
N1 = 10000   # node_type_1 count
E = 320000   # edges (bipartite, src in type_0, dst in type_1)
D = 128      # in_features per node type
DE = 16      # edge_attr dim
H = 128      # hidden


def setup_inputs(seed: int = 0) -> dict:
    key = jax.random.key(seed)
    ks = jax.random.split(key, 12)
    x0 = jax.random.normal(ks[0], (N0, D), dtype=jnp.float32)
    x1 = jax.random.normal(ks[1], (N1, D), dtype=jnp.float32)
    src = jax.random.randint(ks[2], (E,), 0, N0)
    dst = jax.random.randint(ks[3], (E,), 0, N1)
    edge_index = jnp.stack([src, dst], axis=0)
    edge_attr = jax.random.normal(ks[4], (E, DE), dtype=jnp.float32)
    # per-type input embedding linears (nn.Linear(in_features[i], hidden))
    W0 = jax.random.normal(ks[5], (D, H), dtype=jnp.float32) * (1.0 / np.sqrt(D))
    b0 = jnp.zeros((H,), dtype=jnp.float32)
    W1 = jax.random.normal(ks[6], (D, H), dtype=jnp.float32) * (1.0 / np.sqrt(D))
    b1 = jnp.zeros((H,), dtype=jnp.float32)
    # backbone (bipartite edge conv) params
    W_e = jax.random.normal(ks[7], (DE, H), dtype=jnp.float32) * (1.0 / np.sqrt(DE))
    W_agg = jax.random.normal(ks[8], (H, H), dtype=jnp.float32) * (1.0 / np.sqrt(H))
    b_agg = jnp.zeros((H,), dtype=jnp.float32)
    return {"x0": x0, "x1": x1, "edge_index": edge_index, "edge_attr": edge_attr,
            "W0": W0, "b0": b0, "W1": W1, "b1": b1,
            "W_e": W_e, "W_agg": W_agg, "b_agg": b_agg}


def reference(x0, x1, edge_index, edge_attr, W0, b0, W1, b1, W_e, W_agg, b_agg):
    # per-type embedding (self.emb[i])
    h0 = x0 @ W0 + b0
    h1 = x1 @ W1 + b1
    src = edge_index[0]
    dst = edge_index[1]
    # backbone: bipartite message passing type_0 -> type_1 with edge features
    msg = jnp.take(h0, src, axis=0) + edge_attr @ W_e          # gather, [E, H]
    agg = jax.ops.segment_sum(msg, dst, num_segments=N1)        # scatter-add, [N1, H]
    out = jax.nn.relu(h1 + agg @ W_agg + b_agg)                  # [N1, H]
    return out

if __name__ == "__main__":
    import jax
    _d = setup_inputs()
    print(jax.jit(kernel)(*tuple(_d.values())))

</pallas_src>

<mosaic_0001>
#map = affine_map<(d0, d1) -> (0, 0)>
#map1 = affine_map<(d0, d1) -> (0, 0, 0)>
module attributes {stable_mosaic.version = 14 : i64} {
  func.func @_sc_s_body(%arg0: i32, %arg1: i32, %arg2: memref<10000x128xf32, #tpu.memory_space<hbm>>, %arg3: memref<32x80x128xi32, #tpu.memory_space<hbm>>, %arg4: memref<32x80x128xi32, #tpu.memory_space<hbm>>, %arg5: memref<16x8x128xi32, #tpu.memory_space<hbm>>, %arg6: memref<2x10240x128xf32, #tpu.memory_space<hbm>>, %arg7: memref<10240x128xf32, #tpu.memory_space<vmem_shared>>, %arg8: memref<8x128xi32, #tpu.memory_space<vmem>>, %arg9: memref<8x128xi32, #tpu.memory_space<vmem>>, %arg10: memref<128x128xf32, #tpu.memory_space<vmem>>, %arg11: memref<128x128xf32, #tpu.memory_space<vmem>>, %arg12: memref<!tpu.dma_semaphore, #tpu.memory_space<semaphore_mem>>, %arg13: memref<!tpu.dma_semaphore, #tpu.memory_space<semaphore_mem>>) attributes {dimension_semantics = [#tpu.dimension_semantics<core_parallel>, #tpu.dimension_semantics<subcore_parallel>], iteration_bounds = array<i64: 2, 16>, scalar_prefetch = 0 : i64, scratch_operands = 7 : i64, tpu.core_type = #tpu.core_type<sc_vector_subcore>, window_params = [{transform_indices = #map}, {transform_indices = #map1}, {transform_indices = #map1}, {transform_indices = #map1}, {transform_indices = #map1}]} {
    %mul3A = arith.constant 2 : i32
    %mul3A_0 = arith.muli %arg1, %mul3A : i32
    %add3A = arith.addi %mul3A_0, %arg0 : i32
    %broadcast_in_dim3A = arith.constant 0.000000e+00 : f32
    %broadcast_in_dim3A_1 = vector.broadcast %broadcast_in_dim3A : f32 to vector<16xf32>
    %scan3A = arith.constant 0 : i32
    %scan3A_2 = arith.constant 128 : i32
    %scan3A_3 = arith.addi %scan3A, %scan3A_2 : i32
    %scan3A_4 = arith.constant 1 : i32
    scf.for %scan3A_22 = %scan3A to %scan3A_3 step %scan3A_4  : i32 {
      %mul3A_23 = arith.constant 1 : i32
      %mul3A_24 = arith.muli %scan3A_22, %mul3A_23 : i32
      %add3A_25 = arith.constant 0 : i32
      %add3A_26 = arith.addi %add3A_25, %mul3A_24 : i32
      %scan3A_27 = arith.constant 0 : i32
      %scan3A_28 = arith.constant 8 : i32
      %scan3A_29 = arith.addi %scan3A_27, %scan3A_28 : i32
      %scan3A_30 = arith.constant 1 : i32
      scf.for %scan3A_32 = %scan3A_27 to %scan3A_29 step %scan3A_30  : i32 {
        %mul3A_33 = arith.constant 16 : i32
        %mul3A_34 = arith.muli %scan3A_32, %mul3A_33 : i32
        %add3A_35 = arith.constant 0 : i32
        %add3A_36 = arith.addi %add3A_35, %mul3A_34 : i32
        %swap3A = arith.index_cast %add3A_26 : i32 to index
        %swap3A_37 = arith.index_cast %add3A_36 : i32 to index
        %swap3A_38 = tpu.vector_load %arg10[%swap3A, %swap3A_37] {strides = array<i32>} : memref<128x128xf32, #tpu.memory_space<vmem>>, vector<1x16xf32>,
        %swap3A_39 = vector.shape_cast %swap3A_38 : vector<1x16xf32> to vector<16xf32>
        %swap3A_40 = vector.shape_cast %broadcast_in_dim3A_1 : vector<16xf32> to vector<1x16xf32>
        tpu.vector_store %arg10[%swap3A, %swap3A_37], %swap3A_40 {strides = array<i32>} : memref<128x128xf32, #tpu.memory_space<vmem>>, vector<1x16xf32>,
      }
      %scan3A_31 = arith.constant 8 : i32
    }
    %scan3A_5 = arith.constant 128 : i32
    "tpu.region"() ({
      %run_scoped3A = tpu.sem_alloc : memref<!tpu.dma_semaphore, #tpu.memory_space<semaphore_mem>>
      %dma_start3A = arith.constant 0 : i32
      %dma_start3A_22 = arith.constant 0 : i32
      %dma_start3A_23 = tpu.memref_slice %arg5[%arg1, %dma_start3A, %dma_start3A_22] : memref<16x8x128xi32, #tpu.memory_space<hbm>> -> memref<1x8x128xi32, #tpu.memory_space<hbm>>
      %dma_start3A_24 = tpu.memref_squeeze %dma_start3A_23 : memref<1x8x128xi32, #tpu.memory_space<hbm>> -> memref<8x128xi32, #tpu.memory_space<hbm>>
      %dma_start3A_25 = arith.constant 0 : i32
      %dma_start3A_26 = arith.constant 0 : i32
      %dma_start3A_27 = tpu.memref_slice %arg5[%arg1, %dma_start3A_25, %dma_start3A_26] : memref<16x8x128xi32, #tpu.memory_space<hbm>> -> memref<1x8x128xi32, #tpu.memory_space<hbm>>
      %dma_start3A_28 = tpu.memref_squeeze %dma_start3A_27 : memref<1x8x128xi32, #tpu.memory_space<hbm>> -> memref<8x128xi32, #tpu.memory_space<hbm>>
      tpu.enqueue_dma source(%dma_start3A_28 : memref<8x128xi32, #tpu.memory_space<hbm>>) target(%arg9 : memref<8x128xi32, #tpu.memory_space<vmem>>) target_semaphore(%run_scoped3A : memref<!tpu.dma_semaphore, #tpu.memory_space<semaphore_mem>>)
      %dma_wait3A = arith.constant 0 : i32
      %dma_wait3A_29 = arith.constant 0 : i32
      %dma_wait3A_30 = tpu.memref_slice %arg5[%arg1, %dma_wait3A, %dma_wait3A_29] : memref<16x8x128xi32, #tpu.memory_space<hbm>> -> memref<1x8x128xi32, #tpu.memory_space<hbm>>
      %dma_wait3A_31 = tpu.memref_squeeze %dma_wait3A_30 : memref<1x8x128xi32, #tpu.memory_space<hbm>> -> memref<8x128xi32, #tpu.memory_space<hbm>>
      %dma_wait3A_32 = arith.constant 0 : i32
      %dma_wait3A_33 = arith.constant 0 : i32
      %dma_wait3A_34 = tpu.memref_slice %arg5[%arg1, %dma_wait3A_32, %dma_wait3A_33] : memref<16x8x128xi32, #tpu.memory_space<hbm>> -> memref<1x8x128xi32, #tpu.memory_space<hbm>>
      %dma_wait3A_35 = tpu.memref_squeeze %dma_wait3A_34 : memref<1x8x128xi32, #tpu.memory_space<hbm>> -> memref<8x128xi32, #tpu.memory_space<hbm>>
      tpu.wait_dma2 semaphore(%run_scoped3A : memref<!tpu.dma_semaphore, #tpu.memory_space<semaphore_mem>>) src(%dma_wait3A_35 : memref<8x128xi32, #tpu.memory_space<hbm>>) dst(%arg9 : memref<8x128xi32, #tpu.memory_space<vmem>>)
      tpu.yield
    }) : () -> ()
    %scan3A_6 = arith.constant 0 : i32
    %scan3A_7 = arith.constant 5 : i32
    %scan3A_8 = arith.addi %scan3A_6, %scan3A_7 : i32
    %scan3A_9 = arith.constant 1 : i32
    scf.for %scan3A_22 = %scan3A_6 to %scan3A_8 step %scan3A_9  : i32 {
      %mul3A_23 = arith.constant 1 : i32
      %mul3A_24 = arith.muli %scan3A_22, %mul3A_23 : i32
      %add3A_25 = arith.constant 0 : i32
      %add3A_26 = arith.addi %add3A_25, %mul3A_24 : i32
      "tpu.region"() ({
        %run_scoped3A = tpu.sem_alloc : memref<!tpu.dma_semaphore, #tpu.memory_space<semaphore_mem>>
        %dma_start3A = arith.constant 0 : i32
        %dma_start3A_27 = tpu.memref_slice %arg9[%add3A_26, %dma_start3A] : memref<8x128xi32, #tpu.memory_space<vmem>> -> memref<1x128xi32, #tpu.memory_space<vmem>>
        %dma_start3A_28 = tpu.memref_squeeze %dma_start3A_27 : memref<1x128xi32, #tpu.memory_space<vmem>> -> memref<128xi32, #tpu.memory_space<vmem>>
        %dma_start3A_29 = arith.constant 0 : i32
        %dma_start3A_30 = arith.constant 0 : i32
        %dma_start3A_31 = tpu.memref_slice %arg7[%dma_start3A_29, %dma_start3A_30] : memref<10240x128xf32, #tpu.memory_space<vmem_shared>> -> memref<10240x128xf32, #tpu.memory_space<vmem_shared>>
        tpu.enqueue_indirect_dma source(%arg10 : memref<128x128xf32, #tpu.memory_space<vmem>>) target(%dma_start3A_31 : memref<10240x128xf32, #tpu.memory_space<vmem_shared>>) offsets(%dma_start3A_28 : memref<128xi32, #tpu.memory_space<vmem>>) semaphore(%run_scoped3A : memref<!tpu.dma_semaphore, #tpu.memory_space<semaphore_mem>>)
        %dma_wait3A = arith.constant 0 : i32
        %dma_wait3A_32 = tpu.memref_slice %arg9[%add3A_26, %dma_wait3A] : memref<8x128xi32, #tpu.memory_space<vmem>> -> memref<1x128xi32, #tpu.memory_space<vmem>>
        %dma_wait3A_33 = tpu.memref_squeeze %dma_wait3A_32 : memref<1x128xi32, #tpu.memory_space<vmem>> -> memref<128xi32, #tpu.memory_space<vmem>>
        %dma_wait3A_34 = arith.constant 0 : i32
        %dma_wait3A_35 = arith.constant 0 : i32
        %dma_wait3A_36 = tpu.memref_slice %arg7[%dma_wait3A_34, %dma_wait3A_35] : memref<10240x128xf32, #tpu.memory_space<vmem_shared>> -> memref<10240x128xf32, #tpu.memory_space<vmem_shared>>
        tpu.wait_indirect_dma semaphore(%run_scoped3A : memref<!tpu.dma_semaphore, #tpu.memory_space<semaphore_mem>>) src(%arg10 : memref<128x128xf32, #tpu.memory_space<vmem>>) dst(%dma_wait3A_36 : memref<10240x128xf32, #tpu.memory_space<vmem_shared>>)
        tpu.yield
      }) : () -> ()
    }
    %scan3A_10 = arith.constant 5 : i32
    %barrier3A = arith.constant 0 : index
    tpu.barrier barrier_id(%barrier3A)
    %scan3A_11 = arith.constant 0 : i32
    %scan3A_12 = arith.constant 10 : i32
    %scan3A_13 = arith.addi %scan3A_11, %scan3A_12 : i32
    %scan3A_14 = arith.constant 1 : i32
    scf.for %scan3A_22 = %scan3A_11 to %scan3A_13 step %scan3A_14  : i32 {
      %mul3A_23 = arith.constant 8 : i32
      %mul3A_24 = arith.muli %scan3A_22, %mul3A_23 : i32
      %add3A_25 = arith.constant 0 : i32
      %add3A_26 = arith.addi %add3A_25, %mul3A_24 : i32
      "tpu.region"() ({
        %run_scoped3A_144 = tpu.sem_alloc : memref<!tpu.dma_semaphore, #tpu.memory_space<semaphore_mem>>
        %dma_start3A_145 = arith.constant 0 : i32
        %dma_start3A_146 = tpu.memref_slice %arg3[%add3A, %add3A_26, %dma_start3A_145] : memref<32x80x128xi32, #tpu.memory_space<hbm>> -> memref<1x8x128xi32, #tpu.memory_space<hbm>>
        %dma_start3A_147 = tpu.memref_squeeze %dma_start3A_146 : memref<1x8x128xi32, #tpu.memory_space<hbm>> -> memref<8x128xi32, #tpu.memory_space<hbm>>
        %dma_start3A_148 = arith.constant 0 : i32
        %dma_start3A_149 = tpu.memref_slice %arg3[%add3A, %add3A_26, %dma_start3A_148] : memref<32x80x128xi32, #tpu.memory_space<hbm>> -> memref<1x8x128xi32, #tpu.memory_space<hbm>>
        %dma_start3A_150 = tpu.memref_squeeze %dma_start3A_149 : memref<1x8x128xi32, #tpu.memory_space<hbm>> -> memref<8x128xi32, #tpu.memory_space<hbm>>
        tpu.enqueue_dma source(%dma_start3A_150 : memref<8x128xi32, #tpu.memory_space<hbm>>) target(%arg8 : memref<8x128xi32, #tpu.memory_space<vmem>>) target_semaphore(%run_scoped3A_144 : memref<!tpu.dma_semaphore, #tpu.memory_space<semaphore_mem>>)
        %dma_wait3A_151 = arith.constant 0 : i32
        %dma_wait3A_152 = tpu.memref_slice %arg3[%add3A, %add3A_26, %dma_wait3A_151] : memref<32x80x128xi32, #tpu.memory_space<hbm>> -> memref<1x8x128xi32, #tpu.memory_space<hbm>>
        %dma_wait3A_153 = tpu.memref_squeeze %dma_wait3A_152 : memref<1x8x128xi32, #tpu.memory_space<hbm>> -> memref<8x128xi32, #tpu.memory_space<hbm>>
        %dma_wait3A_154 = arith.constant 0 : i32
        %dma_wait3A_155 = tpu.memref_slice %arg3[%add3A, %add3A_26, %dma_wait3A_154] : memref<32x80x128xi32, #tpu.memory_space<hbm>> -> memref<1x8x128xi32, #tpu.memory_space<hbm>>
        %dma_wait3A_156 = tpu.memref_squeeze %dma_wait3A_155 : memref<1x8x128xi32, #tpu.memory_space<hbm>> -> memref<8x128xi32, #tpu.memory_space<hbm>>
        tpu.wait_dma2 semaphore(%run_scoped3A_144 : memref<!tpu.dma_semaphore, #tpu.memory_space<semaphore_mem>>) src(%dma_wait3A_156 : memref<8x128xi32, #tpu.memory_space<hbm>>) dst(%arg8 : memref<8x128xi32, #tpu.memory_space<vmem>>)
        tpu.yield
      }) : () -> ()
      "tpu.region"() ({
        %run_scoped3A_144 = tpu.sem_alloc : memref<!tpu.dma_semaphore, #tpu.memory_space<semaphore_mem>>
        %dma_start3A_145 = arith.constant 0 : i32
        %dma_start3A_146 = tpu.memref_slice %arg4[%add3A, %add3A_26, %dma_start3A_145] : memref<32x80x128xi32, #tpu.memory_space<hbm>> -> memref<1x8x128xi32, #tpu.memory_space<hbm>>
        %dma_start3A_147 = tpu.memref_squeeze %dma_start3A_146 : memref<1x8x128xi32, #tpu.memory_space<hbm>> -> memref<8x128xi32, #tpu.memory_space<hbm>>
        %dma_start3A_148 = arith.constant 0 : i32
        %dma_start3A_149 = tpu.memref_slice %arg4[%add3A, %add3A_26, %dma_start3A_148] : memref<32x80x128xi32, #tpu.memory_space<hbm>> -> memref<1x8x128xi32, #tpu.memory_space<hbm>>
        %dma_start3A_150 = tpu.memref_squeeze %dma_start3A_149 : memref<1x8x128xi32, #tpu.memory_space<hbm>> -> memref<8x128xi32, #tpu.memory_space<hbm>>
        tpu.enqueue_dma source(%dma_start3A_150 : memref<8x128xi32, #tpu.memory_space<hbm>>) target(%arg9 : memref<8x128xi32, #tpu.memory_space<vmem>>) target_semaphore(%run_scoped3A_144 : memref<!tpu.dma_semaphore, #tpu.memory_space<semaphore_mem>>)
        %dma_wait3A_151 = arith.constant 0 : i32
        %dma_wait3A_152 = tpu.memref_slice %arg4[%add3A, %add3A_26, %dma_wait3A_151] : memref<32x80x128xi32, #tpu.memory_space<hbm>> -> memref<1x8x128xi32, #tpu.memory_space<hbm>>
        %dma_wait3A_153 = tpu.memref_squeeze %dma_wait3A_152 : memref<1x8x128xi32, #tpu.memory_space<hbm>> -> memref<8x128xi32, #tpu.memory_space<hbm>>
        %dma_wait3A_154 = arith.constant 0 : i32
        %dma_wait3A_155 = tpu.memref_slice %arg4[%add3A, %add3A_26, %dma_wait3A_154] : memref<32x80x128xi32, #tpu.memory_space<hbm>> -> memref<1x8x128xi32, #tpu.memory_space<hbm>>
        %dma_wait3A_156 = tpu.memref_squeeze %dma_wait3A_155 : memref<1x8x128xi32, #tpu.memory_space<hbm>> -> memref<8x128xi32, #tpu.memory_space<hbm>>
        tpu.wait_dma2 semaphore(%run_scoped3A_144 : memref<!tpu.dma_semaphore, #tpu.memory_space<semaphore_mem>>) src(%dma_wait3A_156 : memref<8x128xi32, #tpu.memory_space<hbm>>) dst(%arg9 : memref<8x128xi32, #tpu.memory_space<vmem>>)
        tpu.yield
      }) : () -> ()
      %dma_start3A = arith.constant 0 : i32
      %dma_start3A_27 = arith.constant 0 : i32
      %dma_start3A_28 = tpu.memref_slice %arg8[%dma_start3A, %dma_start3A_27] : memref<8x128xi32, #tpu.memory_space<vmem>> -> memref<1x128xi32, #tpu.memory_space<vmem>>
      %dma_start3A_29 = tpu.memref_squeeze %dma_start3A_28 : memref<1x128xi32, #tpu.memory_space<vmem>> -> memref<128xi32, #tpu.memory_space<vmem>>
      %dma_start3A_30 = arith.constant 0 : i32
      %dma_start3A_31 = arith.constant 0 : i32
      %dma_start3A_32 = tpu.memref_slice %arg2[%dma_start3A_30, %dma_start3A_31] : memref<10000x128xf32, #tpu.memory_space<hbm>> -> memref<10000x128xf32, #tpu.memory_space<hbm>>
      tpu.enqueue_indirect_dma source(%dma_start3A_32 : memref<10000x128xf32, #tpu.memory_space<hbm>>) target(%arg10 : memref<128x128xf32, #tpu.memory_space<vmem>>) offsets(%dma_start3A_29 : memref<128xi32, #tpu.memory_space<vmem>>) semaphore(%arg12 : memref<!tpu.dma_semaphore, #tpu.memory_space<semaphore_mem>>)
      %dma_wait3A = arith.constant 0 : i32
      %dma_wait3A_33 = arith.constant 0 : i32
      %dma_wait3A_34 = tpu.memref_slice %arg8[%dma_wait3A, %dma_wait3A_33] : memref<8x128xi32, #tpu.memory_space<vmem>> -> memref<1x128xi32, #tpu.memory_space<vmem>>
      %dma_wait3A_35 = tpu.memref_squeeze %dma_wait3A_34 : memref<1x128xi32, #tpu.memory_space<vmem>> -> memref<128xi32, #tpu.memory_space<vmem>>
      %dma_wait3A_36 = arith.constant 0 : i32
      %dma_wait3A_37 = arith.constant 0 : i32
      %dma_wait3A_38 = tpu.memref_slice %arg2[%dma_wait3A_36, %dma_wait3A_37] : memref<10000x128xf32, #tpu.memory_space<hbm>> -> memref<10000x128xf32, #tpu.memory_space<hbm>>
      tpu.wait_indirect_dma semaphore(%arg12 : memref<!tpu.dma_semaphore, #tpu.memory_space<semaphore_mem>>) src(%dma_wait3A_38 : memref<10000x128xf32, #tpu.memory_space<hbm>>) dst(%arg10 : memref<128x128xf32, #tpu.memory_space<vmem>>)
      %dma_start3A_39 = arith.constant 1 : i32
      %dma_start3A_40 = arith.constant 0 : i32
      %dma_start3A_41 = tpu.memref_slice %arg8[%dma_start3A_39, %dma_start3A_40] : memref<8x128xi32, #tpu.memory_space<vmem>> -> memref<1x128xi32, #tpu.memory_space<vmem>>
      %dma_start3A_42 = tpu.memref_squeeze %dma_start3A_41 : memref<1x128xi32, #tpu.memory_space<vmem>> -> memref<128xi32, #tpu.memory_space<vmem>>
      %dma_start3A_43 = arith.constant 0 : i32
      %dma_start3A_44 = arith.constant 0 : i32
      %dma_start3A_45 = tpu.memref_slice %arg2[%dma_start3A_43, %dma_start3A_44] : memref<10000x128xf32, #tpu.memory_space<hbm>> -> memref<10000x128xf32, #tpu.memory_space<hbm>>
      tpu.enqueue_indirect_dma source(%dma_start3A_45 : memref<10000x128xf32, #tpu.memory_space<hbm>>) target(%arg11 : memref<128x128xf32, #tpu.memory_space<vmem>>) offsets(%dma_start3A_42 : memref<128xi32, #tpu.memory_space<vmem>>) semaphore(%arg13 : memref<!tpu.dma_semaphore, #tpu.memory_space<semaphore_mem>>)
      %run_scoped3A = arith.constant 0 : i32
      "tpu.region"() ({
        %run_scoped3A_144 = tpu.sem_alloc : memref<!tpu.dma_semaphore, #tpu.memory_space<semaphore_mem>>
        %dma_start3A_145 = arith.constant 0 : i32
        %dma_start3A_146 = tpu.memref_slice %arg9[%run_scoped3A, %dma_start3A_145] : memref<8x128xi32, #tpu.memory_space<vmem>> -> memref<1x128xi32, #tpu.memory_space<vmem>>
        %dma_start3A_147 = tpu.memref_squeeze %dma_start3A_146 : memref<1x128xi32, #tpu.memory_space<vmem>> -> memref<128xi32, #tpu.memory_space<vmem>>
        %dma_start3A_148 = arith.constant 0 : i32
        %dma_start3A_149 = arith.constant 0 : i32
        %dma_start3A_150 = tpu.memref_slice %arg7[%dma_start3A_148, %dma_start3A_149] : memref<10240x128xf32, #tpu.memory_space<vmem_shared>> -> memref<10240x128xf32, #tpu.memory_space<vmem_shared>>
        tpu.enqueue_indirect_dma source(%arg10 : memref<128x128xf32, #tpu.memory_space<vmem>>) target(%dma_start3A_150 : memref<10240x128xf32, #tpu.memory_space<vmem_shared>>) offsets(%dma_start3A_147 : memref<128xi32, #tpu.memory_space<vmem>>) semaphore(%run_scoped3A_144 : memref<!tpu.dma_semaphore, #tpu.memory_space<semaphore_mem>>) {add = true}
        %dma_wait3A_151 = arith.constant 0 : i32
        %dma_wait3A_152 = tpu.memref_slice %arg9[%run_scoped3A, %dma_wait3A_151] : memref<8x128xi32, #tpu.memory_space<vmem>> -> memref<1x128xi32, #tpu.memory_space<vmem>>
        %dma_wait3A_153 = tpu.memref_squeeze %dma_wait3A_152 : memref<1x128xi32, #tpu.memory_space<vmem>> -> memref<128xi32, #tpu.memory_space<vmem>>
        %dma_wait3A_154 = arith.constant 0 : i32
        %dma_wait3A_155 = arith.constant 0 : i32
        %dma_wait3A_156 = tpu.memref_slice %arg7[%dma_wait3A_154, %dma_wait3A_155] : memref<10240x128xf32, #tpu.memory_space<vmem_shared>> -> memref<10240x128xf32, #tpu.memory_space<vmem_shared>>
        tpu.wait_indirect_dma semaphore(%run_scoped3A_144 : memref<!tpu.dma_semaphore, #tpu.memory_space<semaphore_mem>>) src(%arg10 : memref<128x128xf32, #tpu.memory_space<vmem>>) dst(%dma_wait3A_156 : memref<10240x128xf32, #tpu.memory_space<vmem_shared>>)
        tpu.yield
      }) : () -> ()
      %dma_wait3A_46 = arith.constant 1 : i32
      %dma_wait3A_47 = arith.constant 0 : i32
      %dma_wait3A_48 = tpu.memref_slice %arg8[%dma_wait3A_46, %dma_wait3A_47] : memref<8x128xi32, #tpu.memory_space<vmem>> -> memref<1x128xi32, #tpu.memory_space<vmem>>
      %dma_wait3A_49 = tpu.memref_squeeze %dma_wait3A_48 : memref<1x128xi32, #tpu.memory_space<vmem>> -> memref<128xi32, #tpu.memory_space<vmem>>
      %dma_wait3A_50 = arith.constant 0 : i32
      %dma_wait3A_51 = arith.constant 0 : i32
      %dma_wait3A_52 = tpu.memref_slice %arg2[%dma_wait3A_50, %dma_wait3A_51] : memref<10000x128xf32, #tpu.memory_space<hbm>> -> memref<10000x128xf32, #tpu.memory_space<hbm>>
      tpu.wait_indirect_dma semaphore(%arg13 : memref<!tpu.dma_semaphore, #tpu.memory_space<semaphore_mem>>) src(%dma_wait3A_52 : memref<10000x128xf32, #tpu.memory_space<hbm>>) dst(%arg11 : memref<128x128xf32, #tpu.memory_space<vmem>>)
      %dma_start3A_53 = arith.constant 2 : i32
      %dma_start3A_54 = arith.constant 0 : i32
      %dma_start3A_55 = tpu.memref_slice %arg8[%dma_start3A_53, %dma_start3A_54] : memref<8x128xi32, #tpu.memory_space<vmem>> -> memref<1x128xi32, #tpu.memory_space<vmem>>
      %dma_start3A_56 = tpu.memref_squeeze %dma_start3A_55 : memref<1x128xi32, #tpu.memory_space<vmem>> -> memref<128xi32, #tpu.memory_space<vmem>>
      %dma_start3A_57 = arith.constant 0 : i32
      %dma_start3A_58 = arith.constant 0 : i32
      %dma_start3A_59 = tpu.memref_slice %arg2[%dma_start3A_57, %dma_start3A_58] : memref<10000x128xf32, #tpu.memory_space<hbm>> -> memref<10000x128xf32, #tpu.memory_space<hbm>>
      tpu.enqueue_indirect_dma source(%dma_start3A_59 : memref<10000x128xf32, #tpu.memory_space<hbm>>) target(%arg10 : memref<128x128xf32, #tpu.memory_space<vmem>>) offsets(%dma_start3A_56 : memref<128xi32, #tpu.memory_space<vmem>>) semaphore(%arg12 : memref<!tpu.dma_semaphore, #tpu.memory_space<semaphore_mem>>)
      %run_scoped3A_60 = arith.constant 1 : i32
      "tpu.region"() ({
        %run_scoped3A_144 = tpu.sem_alloc : memref<!tpu.dma_semaphore, #tpu.memory_space<semaphore_mem>>
        %dma_start3A_145 = arith.constant 0 : i32
        %dma_start3A_146 = tpu.memref_slice %arg9[%run_scoped3A_60, %dma_start3A_145] : memref<8x128xi32, #tpu.memory_space<vmem>> -> memref<1x128xi32, #tpu.memory_space<vmem>>
        %dma_start3A_147 = tpu.memref_squeeze %dma_start3A_146 : memref<1x128xi32, #tpu.memory_space<vmem>> -> memref<128xi32, #tpu.memory_space<vmem>>
        %dma_start3A_148 = arith.constant 0 : i32
        %dma_start3A_149 = arith.constant 0 : i32
        %dma_start3A_150 = tpu.memref_slice %arg7[%dma_start3A_148, %dma_start3A_149] : memref<10240x128xf32, #tpu.memory_space<vmem_shared>> -> memref<10240x128xf32, #tpu.memory_space<vmem_shared>>
        tpu.enqueue_indirect_dma source(%arg11 : memref<128x128xf32, #tpu.memory_space<vmem>>) target(%dma_start3A_150 : memref<10240x128xf32, #tpu.memory_space<vmem_shared>>) offsets(%dma_start3A_147 : memref<128xi32, #tpu.memory_space<vmem>>) semaphore(%run_scoped3A_144 : memref<!tpu.dma_semaphore, #tpu.memory_space<semaphore_mem>>) {add = true}
        %dma_wait3A_151 = arith.constant 0 : i32
        %dma_wait3A_152 = tpu.memref_slice %arg9[%run_scoped3A_60, %dma_wait3A_151] : memref<8x128xi32, #tpu.memory_space<vmem>> -> memref<1x128xi32, #tpu.memory_space<vmem>>
        %dma_wait3A_153 = tpu.memref_squeeze %dma_wait3A_152 : memref<1x128xi32, #tpu.memory_space<vmem>> -> memref<128xi32, #tpu.memory_space<vmem>>
        %dma_wait3A_154 = arith.constant 0 : i32
        %dma_wait3A_155 = arith.constant 0 : i32
        %dma_wait3A_156 = tpu.memref_slice %arg7[%dma_wait3A_154, %dma_wait3A_155] : memref<10240x128xf32, #tpu.memory_space<vmem_shared>> -> memref<10240x128xf32, #tpu.memory_space<vmem_shared>>
        tpu.wait_indirect_dma semaphore(%run_scoped3A_144 : memref<!tpu.dma_semaphore, #tpu.memory_space<semaphore_mem>>) src(%arg11 : memref<128x128xf32, #tpu.memory_space<vmem>>) dst(%dma_wait3A_156 : memref<10240x128xf32, #tpu.memory_space<vmem_shared>>)
        tpu.yield
      }) : () -> ()
      %dma_wait3A_61 = arith.constant 2 : i32
      %dma_wait3A_62 = arith.constant 0 : i32
      %dma_wait3A_63 = tpu.memref_slice %arg8[%dma_wait3A_61, %dma_wait3A_62] : memref<8x128xi32, #tpu.memory_space<vmem>> -> memref<1x128xi32, #tpu.memory_space<vmem>>
      %dma_wait3A_64 = tpu.memref_squeeze %dma_wait3A_63 : memref<1x128xi32, #tpu.memory_space<vmem>> -> memref<128xi32, #tpu.memory_space<vmem>>
      %dma_wait3A_65 = arith.constant 0 : i32
      %dma_wait3A_66 = arith.constant 0 : i32
      %dma_wait3A_67 = tpu.memref_slice %arg2[%dma_wait3A_65, %dma_wait3A_66] : memref<10000x128xf32, #tpu.memory_space<hbm>> -> memref<10000x128xf32, #tpu.memory_space<hbm>>
      tpu.wait_indirect_dma semaphore(%arg12 : memref<!tpu.dma_semaphore, #tpu.memory_space<semaphore_mem>>) src(%dma_wait3A_67 : memref<10000x128xf32, #tpu.memory_space<hbm>>) dst(%arg10 : memref<128x128xf32, #tpu.memory_space<vmem>>)
      %dma_start3A_68 = arith.constant 3 : i32
      %dma_start3A_69 = arith.constant 0 : i32
      %dma_start3A_70 = tpu.memref_slice %arg8[%dma_start3A_68, %dma_start3A_69] : memref<8x128xi32, #tpu.memory_space<vmem>> -> memref<1x128xi32, #tpu.memory_space<vmem>>
      %dma_start3A_71 = tpu.memref_squeeze %dma_start3A_70 : memref<1x128xi32, #tpu.memory_space<vmem>> -> memref<128xi32, #tpu.memory_space<vmem>>
      %dma_start3A_72 = arith.constant 0 : i32
      %dma_start3A_73 = arith.constant 0 : i32
      %dma_start3A_74 = tpu.memref_slice %arg2[%dma_start3A_72, %dma_start3A_73] : memref<10000x128xf32, #tpu.memory_space<hbm>> -> memref<10000x128xf32, #tpu.memory_space<hbm>>
      tpu.enqueue_indirect_dma source(%dma_start3A_74 : memref<10000x128xf32, #tpu.memory_space<hbm>>) target(%arg11 : memref<128x128xf32, #tpu.memory_space<vmem>>) offsets(%dma_start3A_71 : memref<128xi32, #tpu.memory_space<vmem>>) semaphore(%arg13 : memref<!tpu.dma_semaphore, #tpu.memory_space<semaphore_mem>>)
      %run_scoped3A_75 = arith.constant 2 : i32
      "tpu.region"() ({
        %run_scoped3A_144 = tpu.sem_alloc : memref<!tpu.dma_semaphore, #tpu.memory_space<semaphore_mem>>
        %dma_start3A_145 = arith.constant 0 : i32
        %dma_start3A_146 = tpu.memref_slice %arg9[%run_scoped3A_75, %dma_start3A_145] : memref<8x128xi32, #tpu.memory_space<vmem>> -> memref<1x128xi32, #tpu.memory_space<vmem>>
        %dma_start3A_147 = tpu.memref_squeeze %dma_start3A_146 : memref<1x128xi32, #tpu.memory_space<vmem>> -> memref<128xi32, #tpu.memory_space<vmem>>
        %dma_start3A_148 = arith.constant 0 : i32
        %dma_start3A_149 = arith.constant 0 : i32
        %dma_start3A_150 = tpu.memref_slice %arg7[%dma_start3A_148, %dma_start3A_149] : memref<10240x128xf32, #tpu.memory_space<vmem_shared>> -> memref<10240x128xf32, #tpu.memory_space<vmem_shared>>
        tpu.enqueue_indirect_dma source(%arg10 : memref<128x128xf32, #tpu.memory_space<vmem>>) target(%dma_start3A_150 : memref<10240x128xf32, #tpu.memory_space<vmem_shared>>) offsets(%dma_start3A_147 : memref<128xi32, #tpu.memory_space<vmem>>) semaphore(%run_scoped3A_144 : memref<!tpu.dma_semaphore, #tpu.memory_space<semaphore_mem>>) {add = true}
        %dma_wait3A_151 = arith.constant 0 : i32
        %dma_wait3A_152 = tpu.memref_slice %arg9[%run_scoped3A_75, %dma_wait3A_151] : memref<8x128xi32, #tpu.memory_space<vmem>> -> memref<1x128xi32, #tpu.memory_space<vmem>>
        %dma_wait3A_153 = tpu.memref_squeeze %dma_wait3A_152 : memref<1x128xi32, #tpu.memory_space<vmem>> -> memref<128xi32, #tpu.memory_space<vmem>>
        %dma_wait3A_154 = arith.constant 0 : i32
        %dma_wait3A_155 = arith.constant 0 : i32
        %dma_wait3A_156 = tpu.memref_slice %arg7[%dma_wait3A_154, %dma_wait3A_155] : memref<10240x128xf32, #tpu.memory_space<vmem_shared>> -> memref<10240x128xf32, #tpu.memory_space<vmem_shared>>
        tpu.wait_indirect_dma semaphore(%run_scoped3A_144 : memref<!tpu.dma_semaphore, #tpu.memory_space<semaphore_mem>>) src(%arg10 : memref<128x128xf32, #tpu.memory_space<vmem>>) dst(%dma_wait3A_156 : memref<10240x128xf32, #tpu.memory_space<vmem_shared>>)
        tpu.yield
      }) : () -> ()
      %dma_wait3A_76 = arith.constant 3 : i32
      %dma_wait3A_77 = arith.constant 0 : i32
      %dma_wait3A_78 = tpu.memref_slice %arg8[%dma_wait3A_76, %dma_wait3A_77] : memref<8x128xi32, #tpu.memory_space<vmem>> -> memref<1x128xi32, #tpu.memory_space<vmem>>
      %dma_wait3A_79 = tpu.memref_squeeze %dma_wait3A_78 : memref<1x128xi32, #tpu.memory_space<vmem>> -> memref<128xi32, #tpu.memory_space<vmem>>
      %dma_wait3A_80 = arith.constant 0 : i32
      %dma_wait3A_81 = arith.constant 0 : i32
      %dma_wait3A_82 = tpu.memref_slice %arg2[%dma_wait3A_80, %dma_wait3A_81] : memref<10000x128xf32, #tpu.memory_space<hbm>> -> memref<10000x128xf32, #tpu.memory_space<hbm>>
      tpu.wait_indirect_dma semaphore(%arg13 : memref<!tpu.dma_semaphore, #tpu.memory_space<semaphore_mem>>) src(%dma_wait3A_82 : memref<10000x128xf32, #tpu.memory_space<hbm>>) dst(%arg11 : memref<128x128xf32, #tpu.memory_space<vmem>>)
      %dma_start3A_83 = arith.constant 4 : i32
      %dma_start3A_84 = arith.constant 0 : i32
      %dma_start3A_85 = tpu.memref_slice %arg8[%dma_start3A_83, %dma_start3A_84] : memref<8x128xi32, #tpu.memory_space<vmem>> -> memref<1x128xi32, #tpu.memory_space<vmem>>
      %dma_start3A_86 = tpu.memref_squeeze %dma_start3A_85 : memref<1x128xi32, #tpu.memory_space<vmem>> -> memref<128xi32, #tpu.memory_space<vmem>>
      %dma_start3A_87 = arith.constant 0 : i32
      %dma_start3A_88 = arith.constant 0 : i32
      %dma_start3A_89 = tpu.memref_slice %arg2[%dma_start3A_87, %dma_start3A_88] : memref<10000x128xf32, #tpu.memory_space<hbm>> -> memref<10000x128xf32, #tpu.memory_space<hbm>>
      tpu.enqueue_indirect_dma source(%dma_start3A_89 : memref<10000x128xf32, #tpu.memory_space<hbm>>) target(%arg10 : memref<128x128xf32, #tpu.memory_space<vmem>>) offsets(%dma_start3A_86 : memref<128xi32, #tpu.memory_space<vmem>>) semaphore(%arg12 : memref<!tpu.dma_semaphore, #tpu.memory_space<semaphore_mem>>)
      %run_scoped3A_90 = arith.constant 3 : i32
      "tpu.region"() ({
        %run_scoped3A_144 = tpu.sem_alloc : memref<!tpu.dma_semaphore, #tpu.memory_space<semaphore_mem>>
        %dma_start3A_145 = arith.constant 0 : i32
        %dma_start3A_146 = tpu.memref_slice %arg9[%run_scoped3A_90, %dma_start3A_145] : memref<8x128xi32, #tpu.memory_space<vmem>> -> memref<1x128xi32, #tpu.memory_space<vmem>>
        %dma_start3A_147 = tpu.memref_squeeze %dma_start3A_146 : memref<1x128xi32, #tpu.memory_space<vmem>> -> memref<128xi32, #tpu.memory_space<vmem>>
        %dma_start3A_148 = arith.constant 0 : i32
        %dma_start3A_149 = arith.constant 0 : i32
        %dma_start3A_150 = tpu.memref_slice %arg7[%dma_start3A_148, %dma_start3A_149] : memref<10240x128xf32, #tpu.memory_space<vmem_shared>> -> memref<10240x128xf32, #tpu.memory_space<vmem_shared>>
        tpu.enqueue_indirect_dma source(%arg11 : memref<128x128xf32, #tpu.memory_space<vmem>>) target(%dma_start3A_150 : memref<10240x128xf32, #tpu.memory_space<vmem_shared>>) offsets(%dma_start3A_147 : memref<128xi32, #tpu.memory_space<vmem>>) semaphore(%run_scoped3A_144 : memref<!tpu.dma_semaphore, #tpu.memory_space<semaphore_mem>>) {add = true}
        %dma_wait3A_151 = arith.constant 0 : i32
        %dma_wait3A_152 = tpu.memref_slice %arg9[%run_scoped3A_90, %dma_wait3A_151] : memref<8x128xi32, #tpu.memory_space<vmem>> -> memref<1x128xi32, #tpu.memory_space<vmem>>
        %dma_wait3A_153 = tpu.memref_squeeze %dma_wait3A_152 : memref<1x128xi32, #tpu.memory_space<vmem>> -> memref<128xi32, #tpu.memory_space<vmem>>
        %dma_wait3A_154 = arith.constant 0 : i32
        %dma_wait3A_155 = arith.constant 0 : i32
        %dma_wait3A_156 = tpu.memref_slice %arg7[%dma_wait3A_154, %dma_wait3A_155] : memref<10240x128xf32, #tpu.memory_space<vmem_shared>> -> memref<10240x128xf32, #tpu.memory_space<vmem_shared>>
        tpu.wait_indirect_dma semaphore(%run_scoped3A_144 : memref<!tpu.dma_semaphore, #tpu.memory_space<semaphore_mem>>) src(%arg11 : memref<128x128xf32, #tpu.memory_space<vmem>>) dst(%dma_wait3A_156 : memref<10240x128xf32, #tpu.memory_space<vmem_shared>>)
        tpu.yield
      }) : () -> ()
      %dma_wait3A_91 = arith.constant 4 : i32
      %dma_wait3A_92 = arith.constant 0 : i32
      %dma_wait3A_93 = tpu.memref_slice %arg8[%dma_wait3A_91, %dma_wait3A_92] : memref<8x128xi32, #tpu.memory_space<vmem>> -> memref<1x128xi32, #tpu.memory_space<vmem>>
      %dma_wait3A_94 = tpu.memref_squeeze %dma_wait3A_93 : memref<1x128xi32, #tpu.memory_space<vmem>> -> memref<128xi32, #tpu.memory_space<vmem>>
      %dma_wait3A_95 = arith.constant 0 : i32
      %dma_wait3A_96 = arith.constant 0 : i32
      %dma_wait3A_97 = tpu.memref_slice %arg2[%dma_wait3A_95, %dma_wait3A_96] : memref<10000x128xf32, #tpu.memory_space<hbm>> -> memref<10000x128xf32, #tpu.memory_space<hbm>>
      tpu.wait_indirect_dma semaphore(%arg12 : memref<!tpu.dma_semaphore, #tpu.memory_space<semaphore_mem>>) src(%dma_wait3A_97 : memref<10000x128xf32, #tpu.memory_space<hbm>>) dst(%arg10 : memref<128x128xf32, #tpu.memory_space<vmem>>)
      %dma_start3A_98 = arith.constant 5 : i32
      %dma_start3A_99 = arith.constant 0 : i32
      %dma_start3A_100 = tpu.memref_slice %arg8[%dma_start3A_98, %dma_start3A_99] : memref<8x128xi32, #tpu.memory_space<vmem>> -> memref<1x128xi32, #tpu.memory_space<vmem>>
      %dma_start3A_101 = tpu.memref_squeeze %dma_start3A_100 : memref<1x128xi32, #tpu.memory_space<vmem>> -> memref<128xi32, #tpu.memory_space<vmem>>
      %dma_start3A_102 = arith.constant 0 : i32
      %dma_start3A_103 = arith.constant 0 : i32
      %dma_start3A_104 = tpu.memref_slice %arg2[%dma_start3A_102, %dma_start3A_103] : memref<10000x128xf32, #tpu.memory_space<hbm>> -> memref<10000x128xf32, #tpu.memory_space<hbm>>
      tpu.enqueue_indirect_dma source(%dma_start3A_104 : memref<10000x128xf32, #tpu.memory_space<hbm>>) target(%arg11 : memref<128x128xf32, #tpu.memory_space<vmem>>) offsets(%dma_start3A_101 : memref<128xi32, #tpu.memory_space<vmem>>) semaphore(%arg13 : memref<!tpu.dma_semaphore, #tpu.memory_space<semaphore_mem>>)
      %run_scoped3A_105 = arith.constant 4 : i32
      "tpu.region"() ({
        %run_scoped3A_144 = tpu.sem_alloc : memref<!tpu.dma_semaphore, #tpu.memory_space<semaphore_mem>>
        %dma_start3A_145 = arith.constant 0 : i32
        %dma_start3A_146 = tpu.memref_slice %arg9[%run_scoped3A_105, %dma_start3A_145] : memref<8x128xi32, #tpu.memory_space<vmem>> -> memref<1x128xi32, #tpu.memory_space<vmem>>
        %dma_start3A_147 = tpu.memref_squeeze %dma_start3A_146 : memref<1x128xi32, #tpu.memory_space<vmem>> -> memref<128xi32, #tpu.memory_space<vmem>>
        %dma_start3A_148 = arith.constant 0 : i32
        %dma_start3A_149 = arith.constant 0 : i32
        %dma_start3A_150 = tpu.memref_slice %arg7[%dma_start3A_148, %dma_start3A_149] : memref<10240x128xf32, #tpu.memory_space<vmem_shared>> -> memref<10240x128xf32, #tpu.memory_space<vmem_shared>>
        tpu.enqueue_indirect_dma source(%arg10 : memref<128x128xf32, #tpu.memory_space<vmem>>) target(%dma_start3A_150 : memref<10240x128xf32, #tpu.memory_space<vmem_shared>>) offsets(%dma_start3A_147 : memref<128xi32, #tpu.memory_space<vmem>>) semaphore(%run_scoped3A_144 : memref<!tpu.dma_semaphore, #tpu.memory_space<semaphore_mem>>) {add = true}
        %dma_wait3A_151 = arith.constant 0 : i32
        %dma_wait3A_152 = tpu.memref_slice %arg9[%run_scoped3A_105, %dma_wait3A_151] : memref<8x128xi32, #tpu.memory_space<vmem>> -> memref<1x128xi32, #tpu.memory_space<vmem>>
        %dma_wait3A_153 = tpu.memref_squeeze %dma_wait3A_152 : memref<1x128xi32, #tpu.memory_space<vmem>> -> memref<128xi32, #tpu.memory_space<vmem>>
        %dma_wait3A_154 = arith.constant 0 : i32
        %dma_wait3A_155 = arith.constant 0 : i32
        %dma_wait3A_156 = tpu.memref_slice %arg7[%dma_wait3A_154, %dma_wait3A_155] : memref<10240x128xf32, #tpu.memory_space<vmem_shared>> -> memref<10240x128xf32, #tpu.memory_space<vmem_shared>>
        tpu.wait_indirect_dma semaphore(%run_scoped3A_144 : memref<!tpu.dma_semaphore, #tpu.memory_space<semaphore_mem>>) src(%arg10 : memref<128x128xf32, #tpu.memory_space<vmem>>) dst(%dma_wait3A_156 : memref<10240x128xf32, #tpu.memory_space<vmem_shared>>)
        tpu.yield
      }) : () -> ()
      %dma_wait3A_106 = arith.constant 5 : i32
      %dma_wait3A_107 = arith.constant 0 : i32
      %dma_wait3A_108 = tpu.memref_slice %arg8[%dma_wait3A_106, %dma_wait3A_107] : memref<8x128xi32, #tpu.memory_space<vmem>> -> memref<1x128xi32, #tpu.memory_space<vmem>>
      %dma_wait3A_109 = tpu.memref_squeeze %dma_wait3A_108 : memref<1x128xi32, #tpu.memory_space<vmem>> -> memref<128xi32, #tpu.memory_space<vmem>>
      %dma_wait3A_110 = arith.constant 0 : i32
      %dma_wait3A_111 = arith.constant 0 : i32
      %dma_wait3A_112 = tpu.memref_slice %arg2[%dma_wait3A_110, %dma_wait3A_111] : memref<10000x128xf32, #tpu.memory_space<hbm>> -> memref<10000x128xf32, #tpu.memory_space<hbm>>
      tpu.wait_indirect_dma semaphore(%arg13 : memref<!tpu.dma_semaphore, #tpu.memory_space<semaphore_mem>>) src(%dma_wait3A_112 : memref<10000x128xf32, #tpu.memory_space<hbm>>) dst(%arg11 : memref<128x128xf32, #tpu.memory_space<vmem>>)
      %dma_start3A_113 = arith.constant 6 : i32
      %dma_start3A_114 = arith.constant 0 : i32
      %dma_start3A_115 = tpu.memref_slice %arg8[%dma_start3A_113, %dma_start3A_114] : memref<8x128xi32, #tpu.memory_space<vmem>> -> memref<1x128xi32, #tpu.memory_space<vmem>>
      %dma_start3A_116 = tpu.memref_squeeze %dma_start3A_115 : memref<1x128xi32, #tpu.memory_space<vmem>> -> memref<128xi32, #tpu.memory_space<vmem>>
      %dma_start3A_117 = arith.constant 0 : i32
      %dma_start3A_118 = arith.constant 0 : i32
      %dma_start3A_119 = tpu.memref_slice %arg2[%dma_start3A_117, %dma_start3A_118] : memref<10000x128xf32, #tpu.memory_space<hbm>> -> memref<10000x128xf32, #tpu.memory_space<hbm>>
      tpu.enqueue_indirect_dma source(%dma_start3A_119 : memref<10000x128xf32, #tpu.memory_space<hbm>>) target(%arg10 : memref<128x128xf32, #tpu.memory_space<vmem>>) offsets(%dma_start3A_116 : memref<128xi32, #tpu.memory_space<vmem>>) semaphore(%arg12 : memref<!tpu.dma_semaphore, #tpu.memory_space<semaphore_mem>>)
      %run_scoped3A_120 = arith.constant 5 : i32
      "tpu.region"() ({
        %run_scoped3A_144 = tpu.sem_alloc : memref<!tpu.dma_semaphore, #tpu.memory_space<semaphore_mem>>
        %dma_start3A_145 = arith.constant 0 : i32
        %dma_start3A_146 = tpu.memref_slice %arg9[%run_scoped3A_120, %dma_start3A_145] : memref<8x128xi32, #tpu.memory_space<vmem>> -> memref<1x128xi32, #tpu.memory_space<vmem>>
        %dma_start3A_147 = tpu.memref_squeeze %dma_start3A_146 : memref<1x128xi32, #tpu.memory_space<vmem>> -> memref<128xi32, #tpu.memory_space<vmem>>
        %dma_start3A_148 = arith.constant 0 : i32
        %dma_start3A_149 = arith.constant 0 : i32
        %dma_start3A_150 = tpu.memref_slice %arg7[%dma_start3A_148, %dma_start3A_149] : memref<10240x128xf32, #tpu.memory_space<vmem_shared>> -> memref<10240x128xf32, #tpu.memory_space<vmem_shared>>
        tpu.enqueue_indirect_dma source(%arg11 : memref<128x128xf32, #tpu.memory_space<vmem>>) target(%dma_start3A_150 : memref<10240x128xf32, #tpu.memory_space<vmem_shared>>) offsets(%dma_start3A_147 : memref<128xi32, #tpu.memory_space<vmem>>) semaphore(%run_scoped3A_144 : memref<!tpu.dma_semaphore, #tpu.memory_space<semaphore_mem>>) {add = true}
        %dma_wait3A_151 = arith.constant 0 : i32
        %dma_wait3A_152 = tpu.memref_slice %arg9[%run_scoped3A_120, %dma_wait3A_151] : memref<8x128xi32, #tpu.memory_space<vmem>> -> memref<1x128xi32, #tpu.memory_space<vmem>>
        %dma_wait3A_153 = tpu.memref_squeeze %dma_wait3A_152 : memref<1x128xi32, #tpu.memory_space<vmem>> -> memref<128xi32, #tpu.memory_space<vmem>>
        %dma_wait3A_154 = arith.constant 0 : i32
        %dma_wait3A_155 = arith.constant 0 : i32
        %dma_wait3A_156 = tpu.memref_slice %arg7[%dma_wait3A_154, %dma_wait3A_155] : memref<10240x128xf32, #tpu.memory_space<vmem_shared>> -> memref<10240x128xf32, #tpu.memory_space<vmem_shared>>
        tpu.wait_indirect_dma semaphore(%run_scoped3A_144 : memref<!tpu.dma_semaphore, #tpu.memory_space<semaphore_mem>>) src(%arg11 : memref<128x128xf32, #tpu.memory_space<vmem>>) dst(%dma_wait3A_156 : memref<10240x128xf32, #tpu.memory_space<vmem_shared>>)
        tpu.yield
      }) : () -> ()
      %dma_wait3A_121 = arith.constant 6 : i32
      %dma_wait3A_122 = arith.constant 0 : i32
      %dma_wait3A_123 = tpu.memref_slice %arg8[%dma_wait3A_121, %dma_wait3A_122] : memref<8x128xi32, #tpu.memory_space<vmem>> -> memref<1x128xi32, #tpu.memory_space<vmem>>
      %dma_wait3A_124 = tpu.memref_squeeze %dma_wait3A_123 : memref<1x128xi32, #tpu.memory_space<vmem>> -> memref<128xi32, #tpu.memory_space<vmem>>
      %dma_wait3A_125 = arith.constant 0 : i32
      %dma_wait3A_126 = arith.constant 0 : i32
      %dma_wait3A_127 = tpu.memref_slice %arg2[%dma_wait3A_125, %dma_wait3A_126] : memref<10000x128xf32, #tpu.memory_space<hbm>> -> memref<10000x128xf32, #tpu.memory_space<hbm>>
      tpu.wait_indirect_dma semaphore(%arg12 : memref<!tpu.dma_semaphore, #tpu.memory_space<semaphore_mem>>) src(%dma_wait3A_127 : memref<10000x128xf32, #tpu.memory_space<hbm>>) dst(%arg10 : memref<128x128xf32, #tpu.memory_space<vmem>>)
      %dma_start3A_128 = arith.constant 7 : i32
      %dma_start3A_129 = arith.constant 0 : i32
      %dma_start3A_130 = tpu.memref_slice %arg8[%dma_start3A_128, %dma_start3A_129] : memref<8x128xi32, #tpu.memory_space<vmem>> -> memref<1x128xi32, #tpu.memory_space<vmem>>
      %dma_start3A_131 = tpu.memref_squeeze %dma_start3A_130 : memref<1x128xi32, #tpu.memory_space<vmem>> -> memref<128xi32, #tpu.memory_space<vmem>>
      %dma_start3A_132 = arith.constant 0 : i32
      %dma_start3A_133 = arith.constant 0 : i32
      %dma_start3A_134 = tpu.memref_slice %arg2[%dma_start3A_132, %dma_start3A_133] : memref<10000x128xf32, #tpu.memory_space<hbm>> -> memref<10000x128xf32, #tpu.memory_space<hbm>>
      tpu.enqueue_indirect_dma source(%dma_start3A_134 : memref<10000x128xf32, #tpu.memory_space<hbm>>) target(%arg11 : memref<128x128xf32, #tpu.memory_space<vmem>>) offsets(%dma_start3A_131 : memref<128xi32, #tpu.memory_space<vmem>>) semaphore(%arg13 : memref<!tpu.dma_semaphore, #tpu.memory_space<semaphore_mem>>)
      %run_scoped3A_135 = arith.constant 6 : i32
      "tpu.region"() ({
        %run_scoped3A_144 = tpu.sem_alloc : memref<!tpu.dma_semaphore, #tpu.memory_space<semaphore_mem>>
        %dma_start3A_145 = arith.constant 0 : i32
        %dma_start3A_146 = tpu.memref_slice %arg9[%run_scoped3A_135, %dma_start3A_145] : memref<8x128xi32, #tpu.memory_space<vmem>> -> memref<1x128xi32, #tpu.memory_space<vmem>>
        %dma_start3A_147 = tpu.memref_squeeze %dma_start3A_146 : memref<1x128xi32, #tpu.memory_space<vmem>> -> memref<128xi32, #tpu.memory_space<vmem>>
        %dma_start3A_148 = arith.constant 0 : i32
        %dma_start3A_149 = arith.constant 0 : i32
        %dma_start3A_150 = tpu.memref_slice %arg7[%dma_start3A_148, %dma_start3A_149] : memref<10240x128xf32, #tpu.memory_space<vmem_shared>> -> memref<10240x128xf32, #tpu.memory_space<vmem_shared>>
        tpu.enqueue_indirect_dma source(%arg10 : memref<128x128xf32, #tpu.memory_space<vmem>>) target(%dma_start3A_150 : memref<10240x128xf32, #tpu.memory_space<vmem_shared>>) offsets(%dma_start3A_147 : memref<128xi32, #tpu.memory_space<vmem>>) semaphore(%run_scoped3A_144 : memref<!tpu.dma_semaphore, #tpu.memory_space<semaphore_mem>>) {add = true}
        %dma_wait3A_151 = arith.constant 0 : i32
        %dma_wait3A_152 = tpu.memref_slice %arg9[%run_scoped3A_135, %dma_wait3A_151] : memref<8x128xi32, #tpu.memory_space<vmem>> -> memref<1x128xi32, #tpu.memory_space<vmem>>
        %dma_wait3A_153 = tpu.memref_squeeze %dma_wait3A_152 : memref<1x128xi32, #tpu.memory_space<vmem>> -> memref<128xi32, #tpu.memory_space<vmem>>
        %dma_wait3A_154 = arith.constant 0 : i32
        %dma_wait3A_155 = arith.constant 0 : i32
        %dma_wait3A_156 = tpu.memref_slice %arg7[%dma_wait3A_154, %dma_wait3A_155] : memref<10240x128xf32, #tpu.memory_space<vmem_shared>> -> memref<10240x128xf32, #tpu.memory_space<vmem_shared>>
        tpu.wait_indirect_dma semaphore(%run_scoped3A_144 : memref<!tpu.dma_semaphore, #tpu.memory_space<semaphore_mem>>) src(%arg10 : memref<128x128xf32, #tpu.memory_space<vmem>>) dst(%dma_wait3A_156 : memref<10240x128xf32, #tpu.memory_space<vmem_shared>>)
        tpu.yield
      }) : () -> ()
      %dma_wait3A_136 = arith.constant 7 : i32
      %dma_wait3A_137 = arith.constant 0 : i32
      %dma_wait3A_138 = tpu.memref_slice %arg8[%dma_wait3A_136, %dma_wait3A_137] : memref<8x128xi32, #tpu.memory_space<vmem>> -> memref<1x128xi32, #tpu.memory_space<vmem>>
      %dma_wait3A_139 = tpu.memref_squeeze %dma_wait3A_138 : memref<1x128xi32, #tpu.memory_space<vmem>> -> memref<128xi32, #tpu.memory_space<vmem>>
      %dma_wait3A_140 = arith.constant 0 : i32
      %dma_wait3A_141 = arith.constant 0 : i32
      %dma_wait3A_142 = tpu.memref_slice %arg2[%dma_wait3A_140, %dma_wait3A_141] : memref<10000x128xf32, #tpu.memory_space<hbm>> -> memref<10000x128xf32, #tpu.memory_space<hbm>>
      tpu.wait_indirect_dma semaphore(%arg13 : memref<!tpu.dma_semaphore, #tpu.memory_space<semaphore_mem>>) src(%dma_wait3A_142 : memref<10000x128xf32, #tpu.memory_space<hbm>>) dst(%arg11 : memref<128x128xf32, #tpu.memory_space<vmem>>)
      %run_scoped3A_143 = arith.constant 7 : i32
      "tpu.region"() ({
        %run_scoped3A_144 = tpu.sem_alloc : memref<!tpu.dma_semaphore, #tpu.memory_space<semaphore_mem>>
        %dma_start3A_145 = arith.constant 0 : i32
        %dma_start3A_146 = tpu.memref_slice %arg9[%run_scoped3A_143, %dma_start3A_145] : memref<8x128xi32, #tpu.memory_space<vmem>> -> memref<1x128xi32, #tpu.memory_space<vmem>>
        %dma_start3A_147 = tpu.memref_squeeze %dma_start3A_146 : memref<1x128xi32, #tpu.memory_space<vmem>> -> memref<128xi32, #tpu.memory_space<vmem>>
        %dma_start3A_148 = arith.constant 0 : i32
        %dma_start3A_149 = arith.constant 0 : i32
        %dma_start3A_150 = tpu.memref_slice %arg7[%dma_start3A_148, %dma_start3A_149] : memref<10240x128xf32, #tpu.memory_space<vmem_shared>> -> memref<10240x128xf32, #tpu.memory_space<vmem_shared>>
        tpu.enqueue_indirect_dma source(%arg11 : memref<128x128xf32, #tpu.memory_space<vmem>>) target(%dma_start3A_150 : memref<10240x128xf32, #tpu.memory_space<vmem_shared>>) offsets(%dma_start3A_147 : memref<128xi32, #tpu.memory_space<vmem>>) semaphore(%run_scoped3A_144 : memref<!tpu.dma_semaphore, #tpu.memory_space<semaphore_mem>>) {add = true}
        %dma_wait3A_151 = arith.constant 0 : i32
        %dma_wait3A_152 = tpu.memref_slice %arg9[%run_scoped3A_143, %dma_wait3A_151] : memref<8x128xi32, #tpu.memory_space<vmem>> -> memref<1x128xi32, #tpu.memory_space<vmem>>
        %dma_wait3A_153 = tpu.memref_squeeze %dma_wait3A_152 : memref<1x128xi32, #tpu.memory_space<vmem>> -> memref<128xi32, #tpu.memory_space<vmem>>
        %dma_wait3A_154 = arith.constant 0 : i32
        %dma_wait3A_155 = arith.constant 0 : i32
        %dma_wait3A_156 = tpu.memref_slice %arg7[%dma_wait3A_154, %dma_wait3A_155] : memref<10240x128xf32, #tpu.memory_space<vmem_shared>> -> memref<10240x128xf32, #tpu.memory_space<vmem_shared>>
        tpu.wait_indirect_dma semaphore(%run_scoped3A_144 : memref<!tpu.dma_semaphore, #tpu.memory_space<semaphore_mem>>) src(%arg11 : memref<128x128xf32, #tpu.memory_space<vmem>>) dst(%dma_wait3A_156 : memref<10240x128xf32, #tpu.memory_space<vmem_shared>>)
        tpu.yield
      }) : () -> ()
    }
    %scan3A_15 = arith.constant 10 : i32
    %barrier3A_16 = arith.constant 0 : index
    tpu.barrier barrier_id(%barrier3A_16)
    "tpu.region"() ({
      %run_scoped3A = tpu.sem_alloc : memref<!tpu.dma_semaphore, #tpu.memory_space<semaphore_mem>>
      %dma_start3A = arith.constant 0 : i32
      %dma_start3A_22 = arith.constant 0 : i32
      %dma_start3A_23 = tpu.memref_slice %arg5[%arg1, %dma_start3A, %dma_start3A_22] : memref<16x8x128xi32, #tpu.memory_space<hbm>> -> memref<1x8x128xi32, #tpu.memory_space<hbm>>
      %dma_start3A_24 = tpu.memref_squeeze %dma_start3A_23 : memref<1x8x128xi32, #tpu.memory_space<hbm>> -> memref<8x128xi32, #tpu.memory_space<hbm>>
      %dma_start3A_25 = arith.constant 0 : i32
      %dma_start3A_26 = arith.constant 0 : i32
      %dma_start3A_27 = tpu.memref_slice %arg5[%arg1, %dma_start3A_25, %dma_start3A_26] : memref<16x8x128xi32, #tpu.memory_space<hbm>> -> memref<1x8x128xi32, #tpu.memory_space<hbm>>
      %dma_start3A_28 = tpu.memref_squeeze %dma_start3A_27 : memref<1x8x128xi32, #tpu.memory_space<hbm>> -> memref<8x128xi32, #tpu.memory_space<hbm>>
      tpu.enqueue_dma source(%dma_start3A_28 : memref<8x128xi32, #tpu.memory_space<hbm>>) target(%arg9 : memref<8x128xi32, #tpu.memory_space<vmem>>) target_semaphore(%run_scoped3A : memref<!tpu.dma_semaphore, #tpu.memory_space<semaphore_mem>>)
      %dma_wait3A = arith.constant 0 : i32
      %dma_wait3A_29 = arith.constant 0 : i32
      %dma_wait3A_30 = tpu.memref_slice %arg5[%arg1, %dma_wait3A, %dma_wait3A_29] : memref<16x8x128xi32, #tpu.memory_space<hbm>> -> memref<1x8x128xi32, #tpu.memory_space<hbm>>
      %dma_wait3A_31 = tpu.memref_squeeze %dma_wait3A_30 : memref<1x8x128xi32, #tpu.memory_space<hbm>> -> memref<8x128xi32, #tpu.memory_space<hbm>>
      %dma_wait3A_32 = arith.constant 0 : i32
      %dma_wait3A_33 = arith.constant 0 : i32
      %dma_wait3A_34 = tpu.memref_slice %arg5[%arg1, %dma_wait3A_32, %dma_wait3A_33] : memref<16x8x128xi32, #tpu.memory_space<hbm>> -> memref<1x8x128xi32, #tpu.memory_space<hbm>>
      %dma_wait3A_35 = tpu.memref_squeeze %dma_wait3A_34 : memref<1x8x128xi32, #tpu.memory_space<hbm>> -> memref<8x128xi32, #tpu.memory_space<hbm>>
      tpu.wait_dma2 semaphore(%run_scoped3A : memref<!tpu.dma_semaphore, #tpu.memory_space<semaphore_mem>>) src(%dma_wait3A_35 : memref<8x128xi32, #tpu.memory_space<hbm>>) dst(%arg9 : memref<8x128xi32, #tpu.memory_space<vmem>>)
      tpu.yield
    }) : () -> ()
    %scan3A_17 = arith.constant 0 : i32
    %scan3A_18 = arith.constant 5 : i32
    %scan3A_19 = arith.addi %scan3A_17, %scan3A_18 : i32
    %scan3A_20 = arith.constant 1 : i32
    scf.for %scan3A_22 = %scan3A_17 to %scan3A_19 step %scan3A_20  : i32 {
      %mul3A_23 = arith.constant 1 : i32
      %mul3A_24 = arith.muli %scan3A_22, %mul3A_23 : i32
      %add3A_25 = arith.constant 0 : i32
      %add3A_26 = arith.addi %add3A_25, %mul3A_24 : i32
      "tpu.region"() ({
        %run_scoped3A = tpu.sem_alloc : memref<!tpu.dma_semaphore, #tpu.memory_space<semaphore_mem>>
        %dma_start3A = arith.constant 0 : i32
        %dma_start3A_32 = tpu.memref_slice %arg9[%add3A_26, %dma_start3A] : memref<8x128xi32, #tpu.memory_space<vmem>> -> memref<1x128xi32, #tpu.memory_space<vmem>>
        %dma_start3A_33 = tpu.memref_squeeze %dma_start3A_32 : memref<1x128xi32, #tpu.memory_space<vmem>> -> memref<128xi32, #tpu.memory_space<vmem>>
        %dma_start3A_34 = arith.constant 0 : i32
        %dma_start3A_35 = arith.constant 0 : i32
        %dma_start3A_36 = tpu.memref_slice %arg7[%dma_start3A_34, %dma_start3A_35] : memref<10240x128xf32, #tpu.memory_space<vmem_shared>> -> memref<10240x128xf32, #tpu.memory_space<vmem_shared>>
        tpu.enqueue_indirect_dma source(%dma_start3A_36 : memref<10240x128xf32, #tpu.memory_space<vmem_shared>>) target(%arg10 : memref<128x128xf32, #tpu.memory_space<vmem>>) offsets(%dma_start3A_33 : memref<128xi32, #tpu.memory_space<vmem>>) semaphore(%run_scoped3A : memref<!tpu.dma_semaphore, #tpu.memory_space<semaphore_mem>>)
        %dma_wait3A = arith.constant 0 : i32
        %dma_wait3A_37 = tpu.memref_slice %arg9[%add3A_26, %dma_wait3A] : memref<8x128xi32, #tpu.memory_space<vmem>> -> memref<1x128xi32, #tpu.memory_space<vmem>>
        %dma_wait3A_38 = tpu.memref_squeeze %dma_wait3A_37 : memref<1x128xi32, #tpu.memory_space<vmem>> -> memref<128xi32, #tpu.memory_space<vmem>>
        %dma_wait3A_39 = arith.constant 0 : i32
        %dma_wait3A_40 = arith.constant 0 : i32
        %dma_wait3A_41 = tpu.memref_slice %arg7[%dma_wait3A_39, %dma_wait3A_40] : memref<10240x128xf32, #tpu.memory_space<vmem_shared>> -> memref<10240x128xf32, #tpu.memory_space<vmem_shared>>
        tpu.wait_indirect_dma semaphore(%run_scoped3A : memref<!tpu.dma_semaphore, #tpu.memory_space<semaphore_mem>>) src(%dma_wait3A_41 : memref<10240x128xf32, #tpu.memory_space<vmem_shared>>) dst(%arg10 : memref<128x128xf32, #tpu.memory_space<vmem>>)
        tpu.yield
      }) : () -> ()
      %mul3A_27 = arith.constant 640 : i32
      %mul3A_28 = arith.muli %arg1, %mul3A_27 : i32
      %mul3A_29 = arith.constant 128 : i32
      %mul3A_30 = arith.muli %add3A_26, %mul3A_29 : i32
      %add3A_31 = arith.addi %mul3A_28, %mul3A_30 : i32
      "tpu.region"() ({
        %run_scoped3A = tpu.sem_alloc : memref<!tpu.dma_semaphore, #tpu.memory_space<semaphore_mem>>
        %dma_start3A = arith.constant 0 : i32
        %dma_start3A_32 = tpu.memref_slice %arg6[%arg0, %add3A_31, %dma_start3A] : memref<2x10240x128xf32, #tpu.memory_space<hbm>> -> memref<1x128x128xf32, #tpu.memory_space<hbm>>
        %dma_start3A_33 = tpu.memref_squeeze %dma_start3A_32 : memref<1x128x128xf32, #tpu.memory_space<hbm>> -> memref<128x128xf32, #tpu.memory_space<hbm>>
        %dma_start3A_34 = arith.constant 0 : i32
        %dma_start3A_35 = tpu.memref_slice %arg6[%arg0, %add3A_31, %dma_start3A_34] : memref<2x10240x128xf32, #tpu.memory_space<hbm>> -> memref<1x128x128xf32, #tpu.memory_space<hbm>>
        %dma_start3A_36 = tpu.memref_squeeze %dma_start3A_35 : memref<1x128x128xf32, #tpu.memory_space<hbm>> -> memref<128x128xf32, #tpu.memory_space<hbm>>
        tpu.enqueue_dma source(%arg10 : memref<128x128xf32, #tpu.memory_space<vmem>>) target(%dma_start3A_36 : memref<128x128xf32, #tpu.memory_space<hbm>>) target_semaphore(%run_scoped3A : memref<!tpu.dma_semaphore, #tpu.memory_space<semaphore_mem>>)
        %dma_wait3A = arith.constant 0 : i32
        %dma_wait3A_37 = tpu.memref_slice %arg6[%arg0, %add3A_31, %dma_wait3A] : memref<2x10240x128xf32, #tpu.memory_space<hbm>> -> memref<1x128x128xf32, #tpu.memory_space<hbm>>
        %dma_wait3A_38 = tpu.memref_squeeze %dma_wait3A_37 : memref<1x128x128xf32, #tpu.memory_space<hbm>> -> memref<128x128xf32, #tpu.memory_space<hbm>>
        %dma_wait3A_39 = arith.constant 0 : i32
        %dma_wait3A_40 = tpu.memref_slice %arg6[%arg0, %add3A_31, %dma_wait3A_39] : memref<2x10240x128xf32, #tpu.memory_space<hbm>> -> memref<1x128x128xf32, #tpu.memory_space<hbm>>
        %dma_wait3A_41 = tpu.memref_squeeze %dma_wait3A_40 : memref<1x128x128xf32, #tpu.memory_space<hbm>> -> memref<128x128xf32, #tpu.memory_space<hbm>>
        tpu.wait_dma2 semaphore(%run_scoped3A : memref<!tpu.dma_semaphore, #tpu.memory_space<semaphore_mem>>) src(%arg10 : memref<128x128xf32, #tpu.memory_space<vmem>>) dst(%dma_wait3A_41 : memref<128x128xf32, #tpu.memory_space<hbm>>)
        tpu.yield
      }) : () -> ()
    }
    %scan3A_21 = arith.constant 5 : i32
    return
  }
}

#map = affine_map<(d0, d1) -> (0, 0, 0)>
#map1 = affine_map<(d0, d1) -> (0, 0, 0, 0)>
module attributes {stable_mosaic.version = 14 : i64} {
  func.func @_sc_t_body(%arg0: i32, %arg1: i32, %arg2: memref<32x80x128xi32, #tpu.memory_space<hbm>>, %arg3: memref<32x80x128x128xf32, #tpu.memory_space<hbm>>, %arg4: memref<16x8x128xi32, #tpu.memory_space<hbm>>, %arg5: memref<2x10240x128xf32, #tpu.memory_space<hbm>>, %arg6: memref<10240x128xf32, #tpu.memory_space<vmem_shared>>, %arg7: memref<8x128xi32, #tpu.memory_space<vmem>>, %arg8: memref<128x128xf32, #tpu.memory_space<vmem>>, %arg9: memref<128x128xf32, #tpu.memory_space<vmem>>, %arg10: memref<!tpu.dma_semaphore, #tpu.memory_space<semaphore_mem>>, %arg11: memref<!tpu.dma_semaphore, #tpu.memory_space<semaphore_mem>>) attributes {dimension_semantics = [#tpu.dimension_semantics<core_parallel>, #tpu.dimension_semantics<subcore_parallel>], iteration_bounds = array<i64: 2, 16>, scalar_prefetch = 0 : i64, scratch_operands = 6 : i64, tpu.core_type = #tpu.core_type<sc_vector_subcore>, window_params = [{transform_indices = #map}, {transform_indices = #map1}, {transform_indices = #map}, {transform_indices = #map}]} {
    %mul3A = arith.constant 2 : i32
    %mul3A_0 = arith.muli %arg1, %mul3A : i32
    %add3A = arith.addi %mul3A_0, %arg0 : i32
    %broadcast_in_dim3A = arith.constant 0.000000e+00 : f32
    %broadcast_in_dim3A_1 = vector.broadcast %broadcast_in_dim3A : f32 to vector<16xf32>
    %scan3A = arith.constant 0 : i32
    %scan3A_2 = arith.constant 128 : i32
    %scan3A_3 = arith.addi %scan3A, %scan3A_2 : i32
    %scan3A_4 = arith.constant 1 : i32
    scf.for %scan3A_22 = %scan3A to %scan3A_3 step %scan3A_4  : i32 {
      %mul3A_23 = arith.constant 1 : i32
      %mul3A_24 = arith.muli %scan3A_22, %mul3A_23 : i32
      %add3A_25 = arith.constant 0 : i32
      %add3A_26 = arith.addi %add3A_25, %mul3A_24 : i32
      %scan3A_27 = arith.constant 0 : i32
      %scan3A_28 = arith.constant 8 : i32
      %scan3A_29 = arith.addi %scan3A_27, %scan3A_28 : i32
      %scan3A_30 = arith.constant 1 : i32
      scf.for %scan3A_32 = %scan3A_27 to %scan3A_29 step %scan3A_30  : i32 {
        %mul3A_33 = arith.constant 16 : i32
        %mul3A_34 = arith.muli %scan3A_32, %mul3A_33 : i32
        %add3A_35 = arith.constant 0 : i32
        %add3A_36 = arith.addi %add3A_35, %mul3A_34 : i32
        %swap3A = arith.index_cast %add3A_26 : i32 to index
        %swap3A_37 = arith.index_cast %add3A_36 : i32 to index
        %swap3A_38 = tpu.vector_load %arg8[%swap3A, %swap3A_37] {strides = array<i32>} : memref<128x128xf32, #tpu.memory_space<vmem>>, vector<1x16xf32>,
        %swap3A_39 = vector.shape_cast %swap3A_38 : vector<1x16xf32> to vector<16xf32>
        %swap3A_40 = vector.shape_cast %broadcast_in_dim3A_1 : vector<16xf32> to vector<1x16xf32>
        tpu.vector_store %arg8[%swap3A, %swap3A_37], %swap3A_40 {strides = array<i32>} : memref<128x128xf32, #tpu.memory_space<vmem>>, vector<1x16xf32>,
      }
      %scan3A_31 = arith.constant 8 : i32
    }
    %scan3A_5 = arith.constant 128 : i32
    "tpu.region"() ({
      %run_scoped3A = tpu.sem_alloc : memref<!tpu.dma_semaphore, #tpu.memory_space<semaphore_mem>>
      %dma_start3A = arith.constant 0 : i32
      %dma_start3A_22 = arith.constant 0 : i32
      %dma_start3A_23 = tpu.memref_slice %arg4[%arg1, %dma_start3A, %dma_start3A_22] : memref<16x8x128xi32, #tpu.memory_space<hbm>> -> memref<1x8x128xi32, #tpu.memory_space<hbm>>
      %dma_start3A_24 = tpu.memref_squeeze %dma_start3A_23 : memref<1x8x128xi32, #tpu.memory_space<hbm>> -> memref<8x128xi32, #tpu.memory_space<hbm>>
      %dma_start3A_25 = arith.constant 0 : i32
      %dma_start3A_26 = arith.constant 0 : i32
      %dma_start3A_27 = tpu.memref_slice %arg4[%arg1, %dma_start3A_25, %dma_start3A_26] : memref<16x8x128xi32, #tpu.memory_space<hbm>> -> memref<1x8x128xi32, #tpu.memory_space<hbm>>
      %dma_start3A_28 = tpu.memref_squeeze %dma_start3A_27 : memref<1x8x128xi32, #tpu.memory_space<hbm>> -> memref<8x128xi32, #tpu.memory_space<hbm>>
      tpu.enqueue_dma source(%dma_start3A_28 : memref<8x128xi32, #tpu.memory_space<hbm>>) target(%arg7 : memref<8x128xi32, #tpu.memory_space<vmem>>) target_semaphore(%run_scoped3A : memref<!tpu.dma_semaphore, #tpu.memory_space<semaphore_mem>>)
      %dma_wait3A = arith.constant 0 : i32
      %dma_wait3A_29 = arith.constant 0 : i32
      %dma_wait3A_30 = tpu.memref_slice %arg4[%arg1, %dma_wait3A, %dma_wait3A_29] : memref<16x8x128xi32, #tpu.memory_space<hbm>> -> memref<1x8x128xi32, #tpu.memory_space<hbm>>
      %dma_wait3A_31 = tpu.memref_squeeze %dma_wait3A_30 : memref<1x8x128xi32, #tpu.memory_space<hbm>> -> memref<8x128xi32, #tpu.memory_space<hbm>>
      %dma_wait3A_32 = arith.constant 0 : i32
      %dma_wait3A_33 = arith.constant 0 : i32
      %dma_wait3A_34 = tpu.memref_slice %arg4[%arg1, %dma_wait3A_32, %dma_wait3A_33] : memref<16x8x128xi32, #tpu.memory_space<hbm>> -> memref<1x8x128xi32, #tpu.memory_space<hbm>>
      %dma_wait3A_35 = tpu.memref_squeeze %dma_wait3A_34 : memref<1x8x128xi32, #tpu.memory_space<hbm>> -> memref<8x128xi32, #tpu.memory_space<hbm>>
      tpu.wait_dma2 semaphore(%run_scoped3A : memref<!tpu.dma_semaphore, #tpu.memory_space<semaphore_mem>>) src(%dma_wait3A_35 : memref<8x128xi32, #tpu.memory_space<hbm>>) dst(%arg7 : memref<8x128xi32, #tpu.memory_space<vmem>>)
      tpu.yield
    }) : () -> ()
    %scan3A_6 = arith.constant 0 : i32
    %scan3A_7 = arith.constant 5 : i32
    %scan3A_8 = arith.addi %scan3A_6, %scan3A_7 : i32
    %scan3A_9 = arith.constant 1 : i32
    scf.for %scan3A_22 = %scan3A_6 to %scan3A_8 step %scan3A_9  : i32 {
      %mul3A_23 = arith.constant 1 : i32
      %mul3A_24 = arith.muli %scan3A_22, %mul3A_23 : i32
      %add3A_25 = arith.constant 0 : i32
      %add3A_26 = arith.addi %add3A_25, %mul3A_24 : i32
      "tpu.region"() ({
        %run_scoped3A = tpu.sem_alloc : memref<!tpu.dma_semaphore, #tpu.memory_space<semaphore_mem>>
        %dma_start3A = arith.constant 0 : i32
        %dma_start3A_27 = tpu.memref_slice %arg7[%add3A_26, %dma_start3A] : memref<8x128xi32, #tpu.memory_space<vmem>> -> memref<1x128xi32, #tpu.memory_space<vmem>>
        %dma_start3A_28 = tpu.memref_squeeze %dma_start3A_27 : memref<1x128xi32, #tpu.memory_space<vmem>> -> memref<128xi32, #tpu.memory_space<vmem>>
        %dma_start3A_29 = arith.constant 0 : i32
        %dma_start3A_30 = arith.constant 0 : i32
        %dma_start3A_31 = tpu.memref_slice %arg6[%dma_start3A_29, %dma_start3A_30] : memref<10240x128xf32, #tpu.memory_space<vmem_shared>> -> memref<10240x128xf32, #tpu.memory_space<vmem_shared>>
        tpu.enqueue_indirect_dma source(%arg8 : memref<128x128xf32, #tpu.memory_space<vmem>>) target(%dma_start3A_31 : memref<10240x128xf32, #tpu.memory_space<vmem_shared>>) offsets(%dma_start3A_28 : memref<128xi32, #tpu.memory_space<vmem>>) semaphore(%run_scoped3A : memref<!tpu.dma_semaphore, #tpu.memory_space<semaphore_mem>>)
        %dma_wait3A = arith.constant 0 : i32
        %dma_wait3A_32 = tpu.memref_slice %arg7[%add3A_26, %dma_wait3A] : memref<8x128xi32, #tpu.memory_space<vmem>> -> memref<1x128xi32, #tpu.memory_space<vmem>>
        %dma_wait3A_33 = tpu.memref_squeeze %dma_wait3A_32 : memref<1x128xi32, #tpu.memory_space<vmem>> -> memref<128xi32, #tpu.memory_space<vmem>>
        %dma_wait3A_34 = arith.constant 0 : i32
        %dma_wait3A_35 = arith.constant 0 : i32
        %dma_wait3A_36 = tpu.memref_slice %arg6[%dma_wait3A_34, %dma_wait3A_35] : memref<10240x128xf32, #tpu.memory_space<vmem_shared>> -> memref<10240x128xf32, #tpu.memory_space<vmem_shared>>
        tpu.wait_indirect_dma semaphore(%run_scoped3A : memref<!tpu.dma_semaphore, #tpu.memory_space<semaphore_mem>>) src(%arg8 : memref<128x128xf32, #tpu.memory_space<vmem>>) dst(%dma_wait3A_36 : memref<10240x128xf32, #tpu.memory_space<vmem_shared>>)
        tpu.yield
      }) : () -> ()
    }
    %scan3A_10 = arith.constant 5 : i32
    %barrier3A = arith.constant 0 : index
    tpu.barrier barrier_id(%barrier3A)
    %scan3A_11 = arith.constant 0 : i32
    %scan3A_12 = arith.constant 10 : i32
    %scan3A_13 = arith.addi %scan3A_11, %scan3A_12 : i32
    %scan3A_14 = arith.constant 1 : i32
    scf.for %scan3A_22 = %scan3A_11 to %scan3A_13 step %scan3A_14  : i32 {
      %mul3A_23 = arith.constant 8 : i32
      %mul3A_24 = arith.muli %scan3A_22, %mul3A_23 : i32
      %add3A_25 = arith.constant 0 : i32
      %add3A_26 = arith.addi %add3A_25, %mul3A_24 : i32
      "tpu.region"() ({
        %run_scoped3A_188 = tpu.sem_alloc : memref<!tpu.dma_semaphore, #tpu.memory_space<semaphore_mem>>
        %dma_start3A_189 = arith.constant 0 : i32
        %dma_start3A_190 = tpu.memref_slice %arg2[%add3A, %add3A_26, %dma_start3A_189] : memref<32x80x128xi32, #tpu.memory_space<hbm>> -> memref<1x8x128xi32, #tpu.memory_space<hbm>>
        %dma_start3A_191 = tpu.memref_squeeze %dma_start3A_190 : memref<1x8x128xi32, #tpu.memory_space<hbm>> -> memref<8x128xi32, #tpu.memory_space<hbm>>
        %dma_start3A_192 = arith.constant 0 : i32
        %dma_start3A_193 = tpu.memref_slice %arg2[%add3A, %add3A_26, %dma_start3A_192] : memref<32x80x128xi32, #tpu.memory_space<hbm>> -> memref<1x8x128xi32, #tpu.memory_space<hbm>>
        %dma_start3A_194 = tpu.memref_squeeze %dma_start3A_193 : memref<1x8x128xi32, #tpu.memory_space<hbm>> -> memref<8x128xi32, #tpu.memory_space<hbm>>
        tpu.enqueue_dma source(%dma_start3A_194 : memref<8x128xi32, #tpu.memory_space<hbm>>) target(%arg7 : memref<8x128xi32, #tpu.memory_space<vmem>>) target_semaphore(%run_scoped3A_188 : memref<!tpu.dma_semaphore, #tpu.memory_space<semaphore_mem>>)
        %dma_wait3A_195 = arith.constant 0 : i32
        %dma_wait3A_196 = tpu.memref_slice %arg2[%add3A, %add3A_26, %dma_wait3A_195] : memref<32x80x128xi32, #tpu.memory_space<hbm>> -> memref<1x8x128xi32, #tpu.memory_space<hbm>>
        %dma_wait3A_197 = tpu.memref_squeeze %dma_wait3A_196 : memref<1x8x128xi32, #tpu.memory_space<hbm>> -> memref<8x128xi32, #tpu.memory_space<hbm>>
        %dma_wait3A_198 = arith.constant 0 : i32
        %dma_wait3A_199 = tpu.memref_slice %arg2[%add3A, %add3A_26, %dma_wait3A_198] : memref<32x80x128xi32, #tpu.memory_space<hbm>> -> memref<1x8x128xi32, #tpu.memory_space<hbm>>
        %dma_wait3A_200 = tpu.memref_squeeze %dma_wait3A_199 : memref<1x8x128xi32, #tpu.memory_space<hbm>> -> memref<8x128xi32, #tpu.memory_space<hbm>>
        tpu.wait_dma2 semaphore(%run_scoped3A_188 : memref<!tpu.dma_semaphore, #tpu.memory_space<semaphore_mem>>) src(%dma_wait3A_200 : memref<8x128xi32, #tpu.memory_space<hbm>>) dst(%arg7 : memref<8x128xi32, #tpu.memory_space<vmem>>)
        tpu.yield
      }) : () -> ()
      %dma_start3A = arith.constant 0 : i32
      %dma_start3A_27 = arith.constant 0 : i32
      %dma_start3A_28 = tpu.memref_slice %arg3[%add3A, %add3A_26, %dma_start3A, %dma_start3A_27] : memref<32x80x128x128xf32, #tpu.memory_space<hbm>> -> memref<1x1x128x128xf32, #tpu.memory_space<hbm>>
      %dma_start3A_29 = tpu.memref_squeeze %dma_start3A_28 : memref<1x1x128x128xf32, #tpu.memory_space<hbm>> -> memref<128x128xf32, #tpu.memory_space<hbm>>
      %dma_start3A_30 = arith.constant 0 : i32
      %dma_start3A_31 = arith.constant 0 : i32
      %dma_start3A_32 = tpu.memref_slice %arg3[%add3A, %add3A_26, %dma_start3A_30, %dma_start3A_31] : memref<32x80x128x128xf32, #tpu.memory_space<hbm>> -> memref<1x1x128x128xf32, #tpu.memory_space<hbm>>
      %dma_start3A_33 = tpu.memref_squeeze %dma_start3A_32 : memref<1x1x128x128xf32, #tpu.memory_space<hbm>> -> memref<128x128xf32, #tpu.memory_space<hbm>>
      tpu.enqueue_dma source(%dma_start3A_33 : memref<128x128xf32, #tpu.memory_space<hbm>>) target(%arg8 : memref<128x128xf32, #tpu.memory_space<vmem>>) target_semaphore(%arg10 : memref<!tpu.dma_semaphore, #tpu.memory_space<semaphore_mem>>)
      %dma_wait3A = arith.constant 0 : i32
      %dma_wait3A_34 = arith.constant 0 : i32
      %dma_wait3A_35 = tpu.memref_slice %arg3[%add3A, %add3A_26, %dma_wait3A, %dma_wait3A_34] : memref<32x80x128x128xf32, #tpu.memory_space<hbm>> -> memref<1x1x128x128xf32, #tpu.memory_space<hbm>>
      %dma_wait3A_36 = tpu.memref_squeeze %dma_wait3A_35 : memref<1x1x128x128xf32, #tpu.memory_space<hbm>> -> memref<128x128xf32, #tpu.memory_space<hbm>>
      %dma_wait3A_37 = arith.constant 0 : i32
      %dma_wait3A_38 = arith.constant 0 : i32
      %dma_wait3A_39 = tpu.memref_slice %arg3[%add3A, %add3A_26, %dma_wait3A_37, %dma_wait3A_38] : memref<32x80x128x128xf32, #tpu.memory_space<hbm>> -> memref<1x1x128x128xf32, #tpu.memory_space<hbm>>
      %dma_wait3A_40 = tpu.memref_squeeze %dma_wait3A_39 : memref<1x1x128x128xf32, #tpu.memory_space<hbm>> -> memref<128x128xf32, #tpu.memory_space<hbm>>
      tpu.wait_dma2 semaphore(%arg10 : memref<!tpu.dma_semaphore, #tpu.memory_space<semaphore_mem>>) src(%dma_wait3A_40 : memref<128x128xf32, #tpu.memory_space<hbm>>) dst(%arg8 : memref<128x128xf32, #tpu.memory_space<vmem>>)
      %add3A_41 = arith.constant 0 : i32
      %add3A_42 = arith.addi %add3A_26, %add3A_41 : i32
      %add3A_43 = arith.constant 1 : i32
      %add3A_44 = arith.addi %add3A_42, %add3A_43 : i32
      %dma_start3A_45 = arith.constant 0 : i32
      %dma_start3A_46 = arith.constant 0 : i32
      %dma_start3A_47 = tpu.memref_slice %arg3[%add3A, %add3A_44, %dma_start3A_45, %dma_start3A_46] : memref<32x80x128x128xf32, #tpu.memory_space<hbm>> -> memref<1x1x128x128xf32, #tpu.memory_space<hbm>>
      %dma_start3A_48 = tpu.memref_squeeze %dma_start3A_47 : memref<1x1x128x128xf32, #tpu.memory_space<hbm>> -> memref<128x128xf32, #tpu.memory_space<hbm>>
      %dma_start3A_49 = arith.constant 0 : i32
      %dma_start3A_50 = arith.constant 0 : i32
      %dma_start3A_51 = tpu.memref_slice %arg3[%add3A, %add3A_44, %dma_start3A_49, %dma_start3A_50] : memref<32x80x128x128xf32, #tpu.memory_space<hbm>> -> memref<1x1x128x128xf32, #tpu.memory_space<hbm>>
      %dma_start3A_52 = tpu.memref_squeeze %dma_start3A_51 : memref<1x1x128x128xf32, #tpu.memory_space<hbm>> -> memref<128x128xf32, #tpu.memory_space<hbm>>
      tpu.enqueue_dma source(%dma_start3A_52 : memref<128x128xf32, #tpu.memory_space<hbm>>) target(%arg9 : memref<128x128xf32, #tpu.memory_space<vmem>>) target_semaphore(%arg11 : memref<!tpu.dma_semaphore, #tpu.memory_space<semaphore_mem>>)
      %run_scoped3A = arith.constant 0 : i32
      "tpu.region"() ({
        %run_scoped3A_188 = tpu.sem_alloc : memref<!tpu.dma_semaphore, #tpu.memory_space<semaphore_mem>>
        %dma_start3A_189 = arith.constant 0 : i32
        %dma_start3A_190 = tpu.memref_slice %arg7[%run_scoped3A, %dma_start3A_189] : memref<8x128xi32, #tpu.memory_space<vmem>> -> memref<1x128xi32, #tpu.memory_space<vmem>>
        %dma_start3A_191 = tpu.memref_squeeze %dma_start3A_190 : memref<1x128xi32, #tpu.memory_space<vmem>> -> memref<128xi32, #tpu.memory_space<vmem>>
        %dma_start3A_192 = arith.constant 0 : i32
        %dma_start3A_193 = arith.constant 0 : i32
        %dma_start3A_194 = tpu.memref_slice %arg6[%dma_start3A_192, %dma_start3A_193] : memref<10240x128xf32, #tpu.memory_space<vmem_shared>> -> memref<10240x128xf32, #tpu.memory_space<vmem_shared>>
        tpu.enqueue_indirect_dma source(%arg8 : memref<128x128xf32, #tpu.memory_space<vmem>>) target(%dma_start3A_194 : memref<10240x128xf32, #tpu.memory_space<vmem_shared>>) offsets(%dma_start3A_191 : memref<128xi32, #tpu.memory_space<vmem>>) semaphore(%run_scoped3A_188 : memref<!tpu.dma_semaphore, #tpu.memory_space<semaphore_mem>>) {add = true}
        %dma_wait3A_195 = arith.constant 0 : i32
        %dma_wait3A_196 = tpu.memref_slice %arg7[%run_scoped3A, %dma_wait3A_195] : memref<8x128xi32, #tpu.memory_space<vmem>> -> memref<1x128xi32, #tpu.memory_space<vmem>>
        %dma_wait3A_197 = tpu.memref_squeeze %dma_wait3A_196 : memref<1x128xi32, #tpu.memory_space<vmem>> -> memref<128xi32, #tpu.memory_space<vmem>>
        %dma_wait3A_198 = arith.constant 0 : i32
        %dma_wait3A_199 = arith.constant 0 : i32
        %dma_wait3A_200 = tpu.memref_slice %arg6[%dma_wait3A_198, %dma_wait3A_199] : memref<10240x128xf32, #tpu.memory_space<vmem_shared>> -> memref<10240x128xf32, #tpu.memory_space<vmem_shared>>
        tpu.wait_indirect_dma semaphore(%run_scoped3A_188 : memref<!tpu.dma_semaphore, #tpu.memory_space<semaphore_mem>>) src(%arg8 : memref<128x128xf32, #tpu.memory_space<vmem>>) dst(%dma_wait3A_200 : memref<10240x128xf32, #tpu.memory_space<vmem_shared>>)
        tpu.yield
      }) : () -> ()
      %dma_wait3A_53 = arith.constant 0 : i32
      %dma_wait3A_54 = arith.constant 0 : i32
      %dma_wait3A_55 = tpu.memref_slice %arg3[%add3A, %add3A_44, %dma_wait3A_53, %dma_wait3A_54] : memref<32x80x128x128xf32, #tpu.memory_space<hbm>> -> memref<1x1x128x128xf32, #tpu.memory_space<hbm>>
      %dma_wait3A_56 = tpu.memref_squeeze %dma_wait3A_55 : memref<1x1x128x128xf32, #tpu.memory_space<hbm>> -> memref<128x128xf32, #tpu.memory_space<hbm>>
      %dma_wait3A_57 = arith.constant 0 : i32
      %dma_wait3A_58 = arith.constant 0 : i32
      %dma_wait3A_59 = tpu.memref_slice %arg3[%add3A, %add3A_44, %dma_wait3A_57, %dma_wait3A_58] : memref<32x80x128x128xf32, #tpu.memory_space<hbm>> -> memref<1x1x128x128xf32, #tpu.memory_space<hbm>>
      %dma_wait3A_60 = tpu.memref_squeeze %dma_wait3A_59 : memref<1x1x128x128xf32, #tpu.memory_space<hbm>> -> memref<128x128xf32, #tpu.memory_space<hbm>>
      tpu.wait_dma2 semaphore(%arg11 : memref<!tpu.dma_semaphore, #tpu.memory_space<semaphore_mem>>) src(%dma_wait3A_60 : memref<128x128xf32, #tpu.memory_space<hbm>>) dst(%arg9 : memref<128x128xf32, #tpu.memory_space<vmem>>)
      %add3A_61 = arith.constant 1 : i32
      %add3A_62 = arith.addi %add3A_26, %add3A_61 : i32
      %add3A_63 = arith.constant 1 : i32
      %add3A_64 = arith.addi %add3A_62, %add3A_63 : i32
      %dma_start3A_65 = arith.constant 0 : i32
      %dma_start3A_66 = arith.constant 0 : i32
      %dma_start3A_67 = tpu.memref_slice %arg3[%add3A, %add3A_64, %dma_start3A_65, %dma_start3A_66] : memref<32x80x128x128xf32, #tpu.memory_space<hbm>> -> memref<1x1x128x128xf32, #tpu.memory_space<hbm>>
      %dma_start3A_68 = tpu.memref_squeeze %dma_start3A_67 : memref<1x1x128x128xf32, #tpu.memory_space<hbm>> -> memref<128x128xf32, #tpu.memory_space<hbm>>
      %dma_start3A_69 = arith.constant 0 : i32
      %dma_start3A_70 = arith.constant 0 : i32
      %dma_start3A_71 = tpu.memref_slice %arg3[%add3A, %add3A_64, %dma_start3A_69, %dma_start3A_70] : memref<32x80x128x128xf32, #tpu.memory_space<hbm>> -> memref<1x1x128x128xf32, #tpu.memory_space<hbm>>
      %dma_start3A_72 = tpu.memref_squeeze %dma_start3A_71 : memref<1x1x128x128xf32, #tpu.memory_space<hbm>> -> memref<128x128xf32, #tpu.memory_space<hbm>>
      tpu.enqueue_dma source(%dma_start3A_72 : memref<128x128xf32, #tpu.memory_space<hbm>>) target(%arg8 : memref<128x128xf32, #tpu.memory_space<vmem>>) target_semaphore(%arg10 : memref<!tpu.dma_semaphore, #tpu.memory_space<semaphore_mem>>)
      %run_scoped3A_73 = arith.constant 1 : i32
      "tpu.region"() ({
        %run_scoped3A_188 = tpu.sem_alloc : memref<!tpu.dma_semaphore, #tpu.memory_space<semaphore_mem>>
        %dma_start3A_189 = arith.constant 0 : i32
        %dma_start3A_190 = tpu.memref_slice %arg7[%run_scoped3A_73, %dma_start3A_189] : memref<8x128xi32, #tpu.memory_space<vmem>> -> memref<1x128xi32, #tpu.memory_space<vmem>>
        %dma_start3A_191 = tpu.memref_squeeze %dma_start3A_190 : memref<1x128xi32, #tpu.memory_space<vmem>> -> memref<128xi32, #tpu.memory_space<vmem>>
        %dma_start3A_192 = arith.constant 0 : i32
        %dma_start3A_193 = arith.constant 0 : i32
        %dma_start3A_194 = tpu.memref_slice %arg6[%dma_start3A_192, %dma_start3A_193] : memref<10240x128xf32, #tpu.memory_space<vmem_shared>> -> memref<10240x128xf32, #tpu.memory_space<vmem_shared>>
        tpu.enqueue_indirect_dma source(%arg9 : memref<128x128xf32, #tpu.memory_space<vmem>>) target(%dma_start3A_194 : memref<10240x128xf32, #tpu.memory_space<vmem_shared>>) offsets(%dma_start3A_191 : memref<128xi32, #tpu.memory_space<vmem>>) semaphore(%run_scoped3A_188 : memref<!tpu.dma_semaphore, #tpu.memory_space<semaphore_mem>>) {add = true}
        %dma_wait3A_195 = arith.constant 0 : i32
        %dma_wait3A_196 = tpu.memref_slice %arg7[%run_scoped3A_73, %dma_wait3A_195] : memref<8x128xi32, #tpu.memory_space<vmem>> -> memref<1x128xi32, #tpu.memory_space<vmem>>
        %dma_wait3A_197 = tpu.memref_squeeze %dma_wait3A_196 : memref<1x128xi32, #tpu.memory_space<vmem>> -> memref<128xi32, #tpu.memory_space<vmem>>
        %dma_wait3A_198 = arith.constant 0 : i32
        %dma_wait3A_199 = arith.constant 0 : i32
        %dma_wait3A_200 = tpu.memref_slice %arg6[%dma_wait3A_198, %dma_wait3A_199] : memref<10240x128xf32, #tpu.memory_space<vmem_shared>> -> memref<10240x128xf32, #tpu.memory_space<vmem_shared>>
        tpu.wait_indirect_dma semaphore(%run_scoped3A_188 : memref<!tpu.dma_semaphore, #tpu.memory_space<semaphore_mem>>) src(%arg9 : memref<128x128xf32, #tpu.memory_space<vmem>>) dst(%dma_wait3A_200 : memref<10240x128xf32, #tpu.memory_space<vmem_shared>>)
        tpu.yield
      }) : () -> ()
      %dma_wait3A_74 = arith.constant 0 : i32
      %dma_wait3A_75 = arith.constant 0 : i32
      %dma_wait3A_76 = tpu.memref_slice %arg3[%add3A, %add3A_64, %dma_wait3A_74, %dma_wait3A_75] : memref<32x80x128x128xf32, #tpu.memory_space<hbm>> -> memref<1x1x128x128xf32, #tpu.memory_space<hbm>>
      %dma_wait3A_77 = tpu.memref_squeeze %dma_wait3A_76 : memref<1x1x128x128xf32, #tpu.memory_space<hbm>> -> memref<128x128xf32, #tpu.memory_space<hbm>>
      %dma_wait3A_78 = arith.constant 0 : i32
      %dma_wait3A_79 = arith.constant 0 : i32
      %dma_wait3A_80 = tpu.memref_slice %arg3[%add3A, %add3A_64, %dma_wait3A_78, %dma_wait3A_79] : memref<32x80x128x128xf32, #tpu.memory_space<hbm>> -> memref<1x1x128x128xf32, #tpu.memory_space<hbm>>
      %dma_wait3A_81 = tpu.memref_squeeze %dma_wait3A_80 : memref<1x1x128x128xf32, #tpu.memory_space<hbm>> -> memref<128x128xf32, #tpu.memory_space<hbm>>
      tpu.wait_dma2 semaphore(%arg10 : memref<!tpu.dma_semaphore, #tpu.memory_space<semaphore_mem>>) src(%dma_wait3A_81 : memref<128x128xf32, #tpu.memory_space<hbm>>) dst(%arg8 : memref<128x128xf32, #tpu.memory_space<vmem>>)
      %add3A_82 = arith.constant 2 : i32
      %add3A_83 = arith.addi %add3A_26, %add3A_82 : i32
      %add3A_84 = arith.constant 1 : i32
      %add3A_85 = arith.addi %add3A_83, %add3A_84 : i32
      %dma_start3A_86 = arith.constant 0 : i32
      %dma_start3A_87 = arith.constant 0 : i32
      %dma_start3A_88 = tpu.memref_slice %arg3[%add3A, %add3A_85, %dma_start3A_86, %dma_start3A_87] : memref<32x80x128x128xf32, #tpu.memory_space<hbm>> -> memref<1x1x128x128xf32, #tpu.memory_space<hbm>>
      %dma_start3A_89 = tpu.memref_squeeze %dma_start3A_88 : memref<1x1x128x128xf32, #tpu.memory_space<hbm>> -> memref<128x128xf32, #tpu.memory_space<hbm>>
      %dma_start3A_90 = arith.constant 0 : i32
      %dma_start3A_91 = arith.constant 0 : i32
      %dma_start3A_92 = tpu.memref_slice %arg3[%add3A, %add3A_85, %dma_start3A_90, %dma_start3A_91] : memref<32x80x128x128xf32, #tpu.memory_space<hbm>> -> memref<1x1x128x128xf32, #tpu.memory_space<hbm>>
      %dma_start3A_93 = tpu.memref_squeeze %dma_start3A_92 : memref<1x1x128x128xf32, #tpu.memory_space<hbm>> -> memref<128x128xf32, #tpu.memory_space<hbm>>
      tpu.enqueue_dma source(%dma_start3A_93 : memref<128x128xf32, #tpu.memory_space<hbm>>) target(%arg9 : memref<128x128xf32, #tpu.memory_space<vmem>>) target_semaphore(%arg11 : memref<!tpu.dma_semaphore, #tpu.memory_space<semaphore_mem>>)
      %run_scoped3A_94 = arith.constant 2 : i32
      "tpu.region"() ({
        %run_scoped3A_188 = tpu.sem_alloc : memref<!tpu.dma_semaphore, #tpu.memory_space<semaphore_mem>>
        %dma_start3A_189 = arith.constant 0 : i32
        %dma_start3A_190 = tpu.memref_slice %arg7[%run_scoped3A_94, %dma_start3A_189] : memref<8x128xi32, #tpu.memory_space<vmem>> -> memref<1x128xi32, #tpu.memory_space<vmem>>
        %dma_start3A_191 = tpu.memref_squeeze %dma_start3A_190 : memref<1x128xi32, #tpu.memory_space<vmem>> -> memref<128xi32, #tpu.memory_space<vmem>>
        %dma_start3A_192 = arith.constant 0 : i32
        %dma_start3A_193 = arith.constant 0 : i32
        %dma_start3A_194 = tpu.memref_slice %arg6[%dma_start3A_192, %dma_start3A_193] : memref<10240x128xf32, #tpu.memory_space<vmem_shared>> -> memref<10240x128xf32, #tpu.memory_space<vmem_shared>>
        tpu.enqueue_indirect_dma source(%arg8 : memref<128x128xf32, #tpu.memory_space<vmem>>) target(%dma_start3A_194 : memref<10240x128xf32, #tpu.memory_space<vmem_shared>>) offsets(%dma_start3A_191 : memref<128xi32, #tpu.memory_space<vmem>>) semaphore(%run_scoped3A_188 : memref<!tpu.dma_semaphore, #tpu.memory_space<semaphore_mem>>) {add = true}
        %dma_wait3A_195 = arith.constant 0 : i32
        %dma_wait3A_196 = tpu.memref_slice %arg7[%run_scoped3A_94, %dma_wait3A_195] : memref<8x128xi32, #tpu.memory_space<vmem>> -> memref<1x128xi32, #tpu.memory_space<vmem>>
        %dma_wait3A_197 = tpu.memref_squeeze %dma_wait3A_196 : memref<1x128xi32, #tpu.memory_space<vmem>> -> memref<128xi32, #tpu.memory_space<vmem>>
        %dma_wait3A_198 = arith.constant 0 : i32
        %dma_wait3A_199 = arith.constant 0 : i32
        %dma_wait3A_200 = tpu.memref_slice %arg6[%dma_wait3A_198, %dma_wait3A_199] : memref<10240x128xf32, #tpu.memory_space<vmem_shared>> -> memref<10240x128xf32, #tpu.memory_space<vmem_shared>>
        tpu.wait_indirect_dma semaphore(%run_scoped3A_188 : memref<!tpu.dma_semaphore, #tpu.memory_space<semaphore_mem>>) src(%arg8 : memref<128x128xf32, #tpu.memory_space<vmem>>) dst(%dma_wait3A_200 : memref<10240x128xf32, #tpu.memory_space<vmem_shared>>)
        tpu.yield
      }) : () -> ()
      %dma_wait3A_95 = arith.constant 0 : i32
      %dma_wait3A_96 = arith.constant 0 : i32
      %dma_wait3A_97 = tpu.memref_slice %arg3[%add3A, %add3A_85, %dma_wait3A_95, %dma_wait3A_96] : memref<32x80x128x128xf32, #tpu.memory_space<hbm>> -> memref<1x1x128x128xf32, #tpu.memory_space<hbm>>
      %dma_wait3A_98 = tpu.memref_squeeze %dma_wait3A_97 : memref<1x1x128x128xf32, #tpu.memory_space<hbm>> -> memref<128x128xf32, #tpu.memory_space<hbm>>
      %dma_wait3A_99 = arith.constant 0 : i32
      %dma_wait3A_100 = arith.constant 0 : i32
      %dma_wait3A_101 = tpu.memref_slice %arg3[%add3A, %add3A_85, %dma_wait3A_99, %dma_wait3A_100] : memref<32x80x128x128xf32, #tpu.memory_space<hbm>> -> memref<1x1x128x128xf32, #tpu.memory_space<hbm>>
      %dma_wait3A_102 = tpu.memref_squeeze %dma_wait3A_101 : memref<1x1x128x128xf32, #tpu.memory_space<hbm>> -> memref<128x128xf32, #tpu.memory_space<hbm>>
      tpu.wait_dma2 semaphore(%arg11 : memref<!tpu.dma_semaphore, #tpu.memory_space<semaphore_mem>>) src(%dma_wait3A_102 : memref<128x128xf32, #tpu.memory_space<hbm>>) dst(%arg9 : memref<128x128xf32, #tpu.memory_space<vmem>>)
      %add3A_103 = arith.constant 3 : i32
      %add3A_104 = arith.addi %add3A_26, %add3A_103 : i32
      %add3A_105 = arith.constant 1 : i32
      %add3A_106 = arith.addi %add3A_104, %add3A_105 : i32
      %dma_start3A_107 = arith.constant 0 : i32
      %dma_start3A_108 = arith.constant 0 : i32
      %dma_start3A_109 = tpu.memref_slice %arg3[%add3A, %add3A_106, %dma_start3A_107, %dma_start3A_108] : memref<32x80x128x128xf32, #tpu.memory_space<hbm>> -> memref<1x1x128x128xf32, #tpu.memory_space<hbm>>
      %dma_start3A_110 = tpu.memref_squeeze %dma_start3A_109 : memref<1x1x128x128xf32, #tpu.memory_space<hbm>> -> memref<128x128xf32, #tpu.memory_space<hbm>>
      %dma_start3A_111 = arith.constant 0 : i32
      %dma_start3A_112 = arith.constant 0 : i32
      %dma_start3A_113 = tpu.memref_slice %arg3[%add3A, %add3A_106, %dma_start3A_111, %dma_start3A_112] : memref<32x80x128x128xf32, #tpu.memory_space<hbm>> -> memref<1x1x128x128xf32, #tpu.memory_space<hbm>>
      %dma_start3A_114 = tpu.memref_squeeze %dma_start3A_113 : memref<1x1x128x128xf32, #tpu.memory_space<hbm>> -> memref<128x128xf32, #tpu.memory_space<hbm>>
      tpu.enqueue_dma source(%dma_start3A_114 : memref<128x128xf32, #tpu.memory_space<hbm>>) target(%arg8 : memref<128x128xf32, #tpu.memory_space<vmem>>) target_semaphore(%arg10 : memref<!tpu.dma_semaphore, #tpu.memory_space<semaphore_mem>>)
      %run_scoped3A_115 = arith.constant 3 : i32
      "tpu.region"() ({
        %run_scoped3A_188 = tpu.sem_alloc : memref<!tpu.dma_semaphore, #tpu.memory_space<semaphore_mem>>
        %dma_start3A_189 = arith.constant 0 : i32
        %dma_start3A_190 = tpu.memref_slice %arg7[%run_scoped3A_115, %dma_start3A_189] : memref<8x128xi32, #tpu.memory_space<vmem>> -> memref<1x128xi32, #tpu.memory_space<vmem>>
        %dma_start3A_191 = tpu.memref_squeeze %dma_start3A_190 : memref<1x128xi32, #tpu.memory_space<vmem>> -> memref<128xi32, #tpu.memory_space<vmem>>
        %dma_start3A_192 = arith.constant 0 : i32
        %dma_start3A_193 = arith.constant 0 : i32
        %dma_start3A_194 = tpu.memref_slice %arg6[%dma_start3A_192, %dma_start3A_193] : memref<10240x128xf32, #tpu.memory_space<vmem_shared>> -> memref<10240x128xf32, #tpu.memory_space<vmem_shared>>
        tpu.enqueue_indirect_dma source(%arg9 : memref<128x128xf32, #tpu.memory_space<vmem>>) target(%dma_start3A_194 : memref<10240x128xf32, #tpu.memory_space<vmem_shared>>) offsets(%dma_start3A_191 : memref<128xi32, #tpu.memory_space<vmem>>) semaphore(%run_scoped3A_188 : memref<!tpu.dma_semaphore, #tpu.memory_space<semaphore_mem>>) {add = true}
        %dma_wait3A_195 = arith.constant 0 : i32
        %dma_wait3A_196 = tpu.memref_slice %arg7[%run_scoped3A_115, %dma_wait3A_195] : memref<8x128xi32, #tpu.memory_space<vmem>> -> memref<1x128xi32, #tpu.memory_space<vmem>>
        %dma_wait3A_197 = tpu.memref_squeeze %dma_wait3A_196 : memref<1x128xi32, #tpu.memory_space<vmem>> -> memref<128xi32, #tpu.memory_space<vmem>>
        %dma_wait3A_198 = arith.constant 0 : i32
        %dma_wait3A_199 = arith.constant 0 : i32
        %dma_wait3A_200 = tpu.memref_slice %arg6[%dma_wait3A_198, %dma_wait3A_199] : memref<10240x128xf32, #tpu.memory_space<vmem_shared>> -> memref<10240x128xf32, #tpu.memory_space<vmem_shared>>
        tpu.wait_indirect_dma semaphore(%run_scoped3A_188 : memref<!tpu.dma_semaphore, #tpu.memory_space<semaphore_mem>>) src(%arg9 : memref<128x128xf32, #tpu.memory_space<vmem>>) dst(%dma_wait3A_200 : memref<10240x128xf32, #tpu.memory_space<vmem_shared>>)
        tpu.yield
      }) : () -> ()
      %dma_wait3A_116 = arith.constant 0 : i32
      %dma_wait3A_117 = arith.constant 0 : i32
      %dma_wait3A_118 = tpu.memref_slice %arg3[%add3A, %add3A_106, %dma_wait3A_116, %dma_wait3A_117] : memref<32x80x128x128xf32, #tpu.memory_space<hbm>> -> memref<1x1x128x128xf32, #tpu.memory_space<hbm>>
      %dma_wait3A_119 = tpu.memref_squeeze %dma_wait3A_118 : memref<1x1x128x128xf32, #tpu.memory_space<hbm>> -> memref<128x128xf32, #tpu.memory_space<hbm>>
      %dma_wait3A_120 = arith.constant 0 : i32
      %dma_wait3A_121 = arith.constant 0 : i32
      %dma_wait3A_122 = tpu.memref_slice %arg3[%add3A, %add3A_106, %dma_wait3A_120, %dma_wait3A_121] : memref<32x80x128x128xf32, #tpu.memory_space<hbm>> -> memref<1x1x128x128xf32, #tpu.memory_space<hbm>>
      %dma_wait3A_123 = tpu.memref_squeeze %dma_wait3A_122 : memref<1x1x128x128xf32, #tpu.memory_space<hbm>> -> memref<128x128xf32, #tpu.memory_space<hbm>>
      tpu.wait_dma2 semaphore(%arg10 : memref<!tpu.dma_semaphore, #tpu.memory_space<semaphore_mem>>) src(%dma_wait3A_123 : memref<128x128xf32, #tpu.memory_space<hbm>>) dst(%arg8 : memref<128x128xf32, #tpu.memory_space<vmem>>)
      %add3A_124 = arith.constant 4 : i32
      %add3A_125 = arith.addi %add3A_26, %add3A_124 : i32
      %add3A_126 = arith.constant 1 : i32
      %add3A_127 = arith.addi %add3A_125, %add3A_126 : i32
      %dma_start3A_128 = arith.constant 0 : i32
      %dma_start3A_129 = arith.constant 0 : i32
      %dma_start3A_130 = tpu.memref_slice %arg3[%add3A, %add3A_127, %dma_start3A_128, %dma_start3A_129] : memref<32x80x128x128xf32, #tpu.memory_space<hbm>> -> memref<1x1x128x128xf32, #tpu.memory_space<hbm>>
      %dma_start3A_131 = tpu.memref_squeeze %dma_start3A_130 : memref<1x1x128x128xf32, #tpu.memory_space<hbm>> -> memref<128x128xf32, #tpu.memory_space<hbm>>
      %dma_start3A_132 = arith.constant 0 : i32
      %dma_start3A_133 = arith.constant 0 : i32
      %dma_start3A_134 = tpu.memref_slice %arg3[%add3A, %add3A_127, %dma_start3A_132, %dma_start3A_133] : memref<32x80x128x128xf32, #tpu.memory_space<hbm>> -> memref<1x1x128x128xf32, #tpu.memory_space<hbm>>
      %dma_start3A_135 = tpu.memref_squeeze %dma_start3A_134 : memref<1x1x128x128xf32, #tpu.memory_space<hbm>> -> memref<128x128xf32, #tpu.memory_space<hbm>>
      tpu.enqueue_dma source(%dma_start3A_135 : memref<128x128xf32, #tpu.memory_space<hbm>>) target(%arg9 : memref<128x128xf32, #tpu.memory_space<vmem>>) target_semaphore(%arg11 : memref<!tpu.dma_semaphore, #tpu.memory_space<semaphore_mem>>)
      %run_scoped3A_136 = arith.constant 4 : i32
      "tpu.region"() ({
        %run_scoped3A_188 = tpu.sem_alloc : memref<!tpu.dma_semaphore, #tpu.memory_space<semaphore_mem>>
        %dma_start3A_189 = arith.constant 0 : i32
        %dma_start3A_190 = tpu.memref_slice %arg7[%run_scoped3A_136, %dma_start3A_189] : memref<8x128xi32, #tpu.memory_space<vmem>> -> memref<1x128xi32, #tpu.memory_space<vmem>>
        %dma_start3A_191 = tpu.memref_squeeze %dma_start3A_190 : memref<1x128xi32, #tpu.memory_space<vmem>> -> memref<128xi32, #tpu.memory_space<vmem>>
        %dma_start3A_192 = arith.constant 0 : i32
        %dma_start3A_193 = arith.constant 0 : i32
        %dma_start3A_194 = tpu.memref_slice %arg6[%dma_start3A_192, %dma_start3A_193] : memref<10240x128xf32, #tpu.memory_space<vmem_shared>> -> memref<10240x128xf32, #tpu.memory_space<vmem_shared>>
        tpu.enqueue_indirect_dma source(%arg8 : memref<128x128xf32, #tpu.memory_space<vmem>>) target(%dma_start3A_194 : memref<10240x128xf32, #tpu.memory_space<vmem_shared>>) offsets(%dma_start3A_191 : memref<128xi32, #tpu.memory_space<vmem>>) semaphore(%run_scoped3A_188 : memref<!tpu.dma_semaphore, #tpu.memory_space<semaphore_mem>>) {add = true}
        %dma_wait3A_195 = arith.constant 0 : i32
        %dma_wait3A_196 = tpu.memref_slice %arg7[%run_scoped3A_136, %dma_wait3A_195] : memref<8x128xi32, #tpu.memory_space<vmem>> -> memref<1x128xi32, #tpu.memory_space<vmem>>
        %dma_wait3A_197 = tpu.memref_squeeze %dma_wait3A_196 : memref<1x128xi32, #tpu.memory_space<vmem>> -> memref<128xi32, #tpu.memory_space<vmem>>
        %dma_wait3A_198 = arith.constant 0 : i32
        %dma_wait3A_199 = arith.constant 0 : i32
        %dma_wait3A_200 = tpu.memref_slice %arg6[%dma_wait3A_198, %dma_wait3A_199] : memref<10240x128xf32, #tpu.memory_space<vmem_shared>> -> memref<10240x128xf32, #tpu.memory_space<vmem_shared>>
        tpu.wait_indirect_dma semaphore(%run_scoped3A_188 : memref<!tpu.dma_semaphore, #tpu.memory_space<semaphore_mem>>) src(%arg8 : memref<128x128xf32, #tpu.memory_space<vmem>>) dst(%dma_wait3A_200 : memref<10240x128xf32, #tpu.memory_space<vmem_shared>>)
        tpu.yield
      }) : () -> ()
      %dma_wait3A_137 = arith.constant 0 : i32
      %dma_wait3A_138 = arith.constant 0 : i32
      %dma_wait3A_139 = tpu.memref_slice %arg3[%add3A, %add3A_127, %dma_wait3A_137, %dma_wait3A_138] : memref<32x80x128x128xf32, #tpu.memory_space<hbm>> -> memref<1x1x128x128xf32, #tpu.memory_space<hbm>>
      %dma_wait3A_140 = tpu.memref_squeeze %dma_wait3A_139 : memref<1x1x128x128xf32, #tpu.memory_space<hbm>> -> memref<128x128xf32, #tpu.memory_space<hbm>>
      %dma_wait3A_141 = arith.constant 0 : i32
      %dma_wait3A_142 = arith.constant 0 : i32
      %dma_wait3A_143 = tpu.memref_slice %arg3[%add3A, %add3A_127, %dma_wait3A_141, %dma_wait3A_142] : memref<32x80x128x128xf32, #tpu.memory_space<hbm>> -> memref<1x1x128x128xf32, #tpu.memory_space<hbm>>
      %dma_wait3A_144 = tpu.memref_squeeze %dma_wait3A_143 : memref<1x1x128x128xf32, #tpu.memory_space<hbm>> -> memref<128x128xf32, #tpu.memory_space<hbm>>
      tpu.wait_dma2 semaphore(%arg11 : memref<!tpu.dma_semaphore, #tpu.memory_space<semaphore_mem>>) src(%dma_wait3A_144 : memref<128x128xf32, #tpu.memory_space<hbm>>) dst(%arg9 : memref<128x128xf32, #tpu.memory_space<vmem>>)
      %add3A_145 = arith.constant 5 : i32
      %add3A_146 = arith.addi %add3A_26, %add3A_145 : i32
      %add3A_147 = arith.constant 1 : i32
      %add3A_148 = arith.addi %add3A_146, %add3A_147 : i32
      %dma_start3A_149 = arith.constant 0 : i32
      %dma_start3A_150 = arith.constant 0 : i32
      %dma_start3A_151 = tpu.memref_slice %arg3[%add3A, %add3A_148, %dma_start3A_149, %dma_start3A_150] : memref<32x80x128x128xf32, #tpu.memory_space<hbm>> -> memref<1x1x128x128xf32, #tpu.memory_space<hbm>>
      %dma_start3A_152 = tpu.memref_squeeze %dma_start3A_151 : memref<1x1x128x128xf32, #tpu.memory_space<hbm>> -> memref<128x128xf32, #tpu.memory_space<hbm>>
      %dma_start3A_153 = arith.constant 0 : i32
      %dma_start3A_154 = arith.constant 0 : i32
      %dma_start3A_155 = tpu.memref_slice %arg3[%add3A, %add3A_148, %dma_start3A_153, %dma_start3A_154] : memref<32x80x128x128xf32, #tpu.memory_space<hbm>> -> memref<1x1x128x128xf32, #tpu.memory_space<hbm>>
      %dma_start3A_156 = tpu.memref_squeeze %dma_start3A_155 : memref<1x1x128x128xf32, #tpu.memory_space<hbm>> -> memref<128x128xf32, #tpu.memory_space<hbm>>
      tpu.enqueue_dma source(%dma_start3A_156 : memref<128x128xf32, #tpu.memory_space<hbm>>) target(%arg8 : memref<128x128xf32, #tpu.memory_space<vmem>>) target_semaphore(%arg10 : memref<!tpu.dma_semaphore, #tpu.memory_space<semaphore_mem>>)
      %run_scoped3A_157 = arith.constant 5 : i32
      "tpu.region"() ({
        %run_scoped3A_188 = tpu.sem_alloc : memref<!tpu.dma_semaphore, #tpu.memory_space<semaphore_mem>>
        %dma_start3A_189 = arith.constant 0 : i32
        %dma_start3A_190 = tpu.memref_slice %arg7[%run_scoped3A_157, %dma_start3A_189] : memref<8x128xi32, #tpu.memory_space<vmem>> -> memref<1x128xi32, #tpu.memory_space<vmem>>
        %dma_start3A_191 = tpu.memref_squeeze %dma_start3A_190 : memref<1x128xi32, #tpu.memory_space<vmem>> -> memref<128xi32, #tpu.memory_space<vmem>>
        %dma_start3A_192 = arith.constant 0 : i32
        %dma_start3A_193 = arith.constant 0 : i32
        %dma_start3A_194 = tpu.memref_slice %arg6[%dma_start3A_192, %dma_start3A_193] : memref<10240x128xf32, #tpu.memory_space<vmem_shared>> -> memref<10240x128xf32, #tpu.memory_space<vmem_shared>>
        tpu.enqueue_indirect_dma source(%arg9 : memref<128x128xf32, #tpu.memory_space<vmem>>) target(%dma_start3A_194 : memref<10240x128xf32, #tpu.memory_space<vmem_shared>>) offsets(%dma_start3A_191 : memref<128xi32, #tpu.memory_space<vmem>>) semaphore(%run_scoped3A_188 : memref<!tpu.dma_semaphore, #tpu.memory_space<semaphore_mem>>) {add = true}
        %dma_wait3A_195 = arith.constant 0 : i32
        %dma_wait3A_196 = tpu.memref_slice %arg7[%run_scoped3A_157, %dma_wait3A_195] : memref<8x128xi32, #tpu.memory_space<vmem>> -> memref<1x128xi32, #tpu.memory_space<vmem>>
        %dma_wait3A_197 = tpu.memref_squeeze %dma_wait3A_196 : memref<1x128xi32, #tpu.memory_space<vmem>> -> memref<128xi32, #tpu.memory_space<vmem>>
        %dma_wait3A_198 = arith.constant 0 : i32
        %dma_wait3A_199 = arith.constant 0 : i32
        %dma_wait3A_200 = tpu.memref_slice %arg6[%dma_wait3A_198, %dma_wait3A_199] : memref<10240x128xf32, #tpu.memory_space<vmem_shared>> -> memref<10240x128xf32, #tpu.memory_space<vmem_shared>>
        tpu.wait_indirect_dma semaphore(%run_scoped3A_188 : memref<!tpu.dma_semaphore, #tpu.memory_space<semaphore_mem>>) src(%arg9 : memref<128x128xf32, #tpu.memory_space<vmem>>) dst(%dma_wait3A_200 : memref<10240x128xf32, #tpu.memory_space<vmem_shared>>)
        tpu.yield
      }) : () -> ()
      %dma_wait3A_158 = arith.constant 0 : i32
      %dma_wait3A_159 = arith.constant 0 : i32
      %dma_wait3A_160 = tpu.memref_slice %arg3[%add3A, %add3A_148, %dma_wait3A_158, %dma_wait3A_159] : memref<32x80x128x128xf32, #tpu.memory_space<hbm>> -> memref<1x1x128x128xf32, #tpu.memory_space<hbm>>
      %dma_wait3A_161 = tpu.memref_squeeze %dma_wait3A_160 : memref<1x1x128x128xf32, #tpu.memory_space<hbm>> -> memref<128x128xf32, #tpu.memory_space<hbm>>
      %dma_wait3A_162 = arith.constant 0 : i32
      %dma_wait3A_163 = arith.constant 0 : i32
      %dma_wait3A_164 = tpu.memref_slice %arg3[%add3A, %add3A_148, %dma_wait3A_162, %dma_wait3A_163] : memref<32x80x128x128xf32, #tpu.memory_space<hbm>> -> memref<1x1x128x128xf32, #tpu.memory_space<hbm>>
      %dma_wait3A_165 = tpu.memref_squeeze %dma_wait3A_164 : memref<1x1x128x128xf32, #tpu.memory_space<hbm>> -> memref<128x128xf32, #tpu.memory_space<hbm>>
      tpu.wait_dma2 semaphore(%arg10 : memref<!tpu.dma_semaphore, #tpu.memory_space<semaphore_mem>>) src(%dma_wait3A_165 : memref<128x128xf32, #tpu.memory_space<hbm>>) dst(%arg8 : memref<128x128xf32, #tpu.memory_space<vmem>>)
      %add3A_166 = arith.constant 6 : i32
      %add3A_167 = arith.addi %add3A_26, %add3A_166 : i32
      %add3A_168 = arith.constant 1 : i32
      %add3A_169 = arith.addi %add3A_167, %add3A_168 : i32
      %dma_start3A_170 = arith.constant 0 : i32
      %dma_start3A_171 = arith.constant 0 : i32
      %dma_start3A_172 = tpu.memref_slice %arg3[%add3A, %add3A_169, %dma_start3A_170, %dma_start3A_171] : memref<32x80x128x128xf32, #tpu.memory_space<hbm>> -> memref<1x1x128x128xf32, #tpu.memory_space<hbm>>
      %dma_start3A_173 = tpu.memref_squeeze %dma_start3A_172 : memref<1x1x128x128xf32, #tpu.memory_space<hbm>> -> memref<128x128xf32, #tpu.memory_space<hbm>>
      %dma_start3A_174 = arith.constant 0 : i32
      %dma_start3A_175 = arith.constant 0 : i32
      %dma_start3A_176 = tpu.memref_slice %arg3[%add3A, %add3A_169, %dma_start3A_174, %dma_start3A_175] : memref<32x80x128x128xf32, #tpu.memory_space<hbm>> -> memref<1x1x128x128xf32, #tpu.memory_space<hbm>>
      %dma_start3A_177 = tpu.memref_squeeze %dma_start3A_176 : memref<1x1x128x128xf32, #tpu.memory_space<hbm>> -> memref<128x128xf32, #tpu.memory_space<hbm>>
      tpu.enqueue_dma source(%dma_start3A_177 : memref<128x128xf32, #tpu.memory_space<hbm>>) target(%arg9 : memref<128x128xf32, #tpu.memory_space<vmem>>) target_semaphore(%arg11 : memref<!tpu.dma_semaphore, #tpu.memory_space<semaphore_mem>>)
      %run_scoped3A_178 = arith.constant 6 : i32
      "tpu.region"() ({
        %run_scoped3A_188 = tpu.sem_alloc : memref<!tpu.dma_semaphore, #tpu.memory_space<semaphore_mem>>
        %dma_start3A_189 = arith.constant 0 : i32
        %dma_start3A_190 = tpu.memref_slice %arg7[%run_scoped3A_178, %dma_start3A_189] : memref<8x128xi32, #tpu.memory_space<vmem>> -> memref<1x128xi32, #tpu.memory_space<vmem>>
        %dma_start3A_191 = tpu.memref_squeeze %dma_start3A_190 : memref<1x128xi32, #tpu.memory_space<vmem>> -> memref<128xi32, #tpu.memory_space<vmem>>
        %dma_start3A_192 = arith.constant 0 : i32
        %dma_start3A_193 = arith.constant 0 : i32
        %dma_start3A_194 = tpu.memref_slice %arg6[%dma_start3A_192, %dma_start3A_193] : memref<10240x128xf32, #tpu.memory_space<vmem_shared>> -> memref<10240x128xf32, #tpu.memory_space<vmem_shared>>
        tpu.enqueue_indirect_dma source(%arg8 : memref<128x128xf32, #tpu.memory_space<vmem>>) target(%dma_start3A_194 : memref<10240x128xf32, #tpu.memory_space<vmem_shared>>) offsets(%dma_start3A_191 : memref<128xi32, #tpu.memory_space<vmem>>) semaphore(%run_scoped3A_188 : memref<!tpu.dma_semaphore, #tpu.memory_space<semaphore_mem>>) {add = true}
        %dma_wait3A_195 = arith.constant 0 : i32
        %dma_wait3A_196 = tpu.memref_slice %arg7[%run_scoped3A_178, %dma_wait3A_195] : memref<8x128xi32, #tpu.memory_space<vmem>> -> memref<1x128xi32, #tpu.memory_space<vmem>>
        %dma_wait3A_197 = tpu.memref_squeeze %dma_wait3A_196 : memref<1x128xi32, #tpu.memory_space<vmem>> -> memref<128xi32, #tpu.memory_space<vmem>>
        %dma_wait3A_198 = arith.constant 0 : i32
        %dma_wait3A_199 = arith.constant 0 : i32
        %dma_wait3A_200 = tpu.memref_slice %arg6[%dma_wait3A_198, %dma_wait3A_199] : memref<10240x128xf32, #tpu.memory_space<vmem_shared>> -> memref<10240x128xf32, #tpu.memory_space<vmem_shared>>
        tpu.wait_indirect_dma semaphore(%run_scoped3A_188 : memref<!tpu.dma_semaphore, #tpu.memory_space<semaphore_mem>>) src(%arg8 : memref<128x128xf32, #tpu.memory_space<vmem>>) dst(%dma_wait3A_200 : memref<10240x128xf32, #tpu.memory_space<vmem_shared>>)
        tpu.yield
      }) : () -> ()
      %dma_wait3A_179 = arith.constant 0 : i32
      %dma_wait3A_180 = arith.constant 0 : i32
      %dma_wait3A_181 = tpu.memref_slice %arg3[%add3A, %add3A_169, %dma_wait3A_179, %dma_wait3A_180] : memref<32x80x128x128xf32, #tpu.memory_space<hbm>> -> memref<1x1x128x128xf32, #tpu.memory_space<hbm>>
      %dma_wait3A_182 = tpu.memref_squeeze %dma_wait3A_181 : memref<1x1x128x128xf32, #tpu.memory_space<hbm>> -> memref<128x128xf32, #tpu.memory_space<hbm>>
      %dma_wait3A_183 = arith.constant 0 : i32
      %dma_wait3A_184 = arith.constant 0 : i32
      %dma_wait3A_185 = tpu.memref_slice %arg3[%add3A, %add3A_169, %dma_wait3A_183, %dma_wait3A_184] : memref<32x80x128x128xf32, #tpu.memory_space<hbm>> -> memref<1x1x128x128xf32, #tpu.memory_space<hbm>>
      %dma_wait3A_186 = tpu.memref_squeeze %dma_wait3A_185 : memref<1x1x128x128xf32, #tpu.memory_space<hbm>> -> memref<128x128xf32, #tpu.memory_space<hbm>>
      tpu.wait_dma2 semaphore(%arg11 : memref<!tpu.dma_semaphore, #tpu.memory_space<semaphore_mem>>) src(%dma_wait3A_186 : memref<128x128xf32, #tpu.memory_space<hbm>>) dst(%arg9 : memref<128x128xf32, #tpu.memory_space<vmem>>)
      %run_scoped3A_187 = arith.constant 7 : i32
      "tpu.region"() ({
        %run_scoped3A_188 = tpu.sem_alloc : memref<!tpu.dma_semaphore, #tpu.memory_space<semaphore_mem>>
        %dma_start3A_189 = arith.constant 0 : i32
        %dma_start3A_190 = tpu.memref_slice %arg7[%run_scoped3A_187, %dma_start3A_189] : memref<8x128xi32, #tpu.memory_space<vmem>> -> memref<1x128xi32, #tpu.memory_space<vmem>>
        %dma_start3A_191 = tpu.memref_squeeze %dma_start3A_190 : memref<1x128xi32, #tpu.memory_space<vmem>> -> memref<128xi32, #tpu.memory_space<vmem>>
        %dma_start3A_192 = arith.constant 0 : i32
        %dma_start3A_193 = arith.constant 0 : i32
        %dma_start3A_194 = tpu.memref_slice %arg6[%dma_start3A_192, %dma_start3A_193] : memref<10240x128xf32, #tpu.memory_space<vmem_shared>> -> memref<10240x128xf32, #tpu.memory_space<vmem_shared>>
        tpu.enqueue_indirect_dma source(%arg9 : memref<128x128xf32, #tpu.memory_space<vmem>>) target(%dma_start3A_194 : memref<10240x128xf32, #tpu.memory_space<vmem_shared>>) offsets(%dma_start3A_191 : memref<128xi32, #tpu.memory_space<vmem>>) semaphore(%run_scoped3A_188 : memref<!tpu.dma_semaphore, #tpu.memory_space<semaphore_mem>>) {add = true}
        %dma_wait3A_195 = arith.constant 0 : i32
        %dma_wait3A_196 = tpu.memref_slice %arg7[%run_scoped3A_187, %dma_wait3A_195] : memref<8x128xi32, #tpu.memory_space<vmem>> -> memref<1x128xi32, #tpu.memory_space<vmem>>
        %dma_wait3A_197 = tpu.memref_squeeze %dma_wait3A_196 : memref<1x128xi32, #tpu.memory_space<vmem>> -> memref<128xi32, #tpu.memory_space<vmem>>
        %dma_wait3A_198 = arith.constant 0 : i32
        %dma_wait3A_199 = arith.constant 0 : i32
        %dma_wait3A_200 = tpu.memref_slice %arg6[%dma_wait3A_198, %dma_wait3A_199] : memref<10240x128xf32, #tpu.memory_space<vmem_shared>> -> memref<10240x128xf32, #tpu.memory_space<vmem_shared>>
        tpu.wait_indirect_dma semaphore(%run_scoped3A_188 : memref<!tpu.dma_semaphore, #tpu.memory_space<semaphore_mem>>) src(%arg9 : memref<128x128xf32, #tpu.memory_space<vmem>>) dst(%dma_wait3A_200 : memref<10240x128xf32, #tpu.memory_space<vmem_shared>>)
        tpu.yield
      }) : () -> ()
    }
    %scan3A_15 = arith.constant 10 : i32
    %barrier3A_16 = arith.constant 0 : index
    tpu.barrier barrier_id(%barrier3A_16)
    "tpu.region"() ({
      %run_scoped3A = tpu.sem_alloc : memref<!tpu.dma_semaphore, #tpu.memory_space<semaphore_mem>>
      %dma_start3A = arith.constant 0 : i32
      %dma_start3A_22 = arith.constant 0 : i32
      %dma_start3A_23 = tpu.memref_slice %arg4[%arg1, %dma_start3A, %dma_start3A_22] : memref<16x8x128xi32, #tpu.memory_space<hbm>> -> memref<1x8x128xi32, #tpu.memory_space<hbm>>
      %dma_start3A_24 = tpu.memref_squeeze %dma_start3A_23 : memref<1x8x128xi32, #tpu.memory_space<hbm>> -> memref<8x128xi32, #tpu.memory_space<hbm>>
      %dma_start3A_25 = arith.constant 0 : i32
      %dma_start3A_26 = arith.constant 0 : i32
      %dma_start3A_27 = tpu.memref_slice %arg4[%arg1, %dma_start3A_25, %dma_start3A_26] : memref<16x8x128xi32, #tpu.memory_space<hbm>> -> memref<1x8x128xi32, #tpu.memory_space<hbm>>
      %dma_start3A_28 = tpu.memref_squeeze %dma_start3A_27 : memref<1x8x128xi32, #tpu.memory_space<hbm>> -> memref<8x128xi32, #tpu.memory_space<hbm>>
      tpu.enqueue_dma source(%dma_start3A_28 : memref<8x128xi32, #tpu.memory_space<hbm>>) target(%arg7 : memref<8x128xi32, #tpu.memory_space<vmem>>) target_semaphore(%run_scoped3A : memref<!tpu.dma_semaphore, #tpu.memory_space<semaphore_mem>>)
      %dma_wait3A = arith.constant 0 : i32
      %dma_wait3A_29 = arith.constant 0 : i32
      %dma_wait3A_30 = tpu.memref_slice %arg4[%arg1, %dma_wait3A, %dma_wait3A_29] : memref<16x8x128xi32, #tpu.memory_space<hbm>> -> memref<1x8x128xi32, #tpu.memory_space<hbm>>
      %dma_wait3A_31 = tpu.memref_squeeze %dma_wait3A_30 : memref<1x8x128xi32, #tpu.memory_space<hbm>> -> memref<8x128xi32, #tpu.memory_space<hbm>>
      %dma_wait3A_32 = arith.constant 0 : i32
      %dma_wait3A_33 = arith.constant 0 : i32
      %dma_wait3A_34 = tpu.memref_slice %arg4[%arg1, %dma_wait3A_32, %dma_wait3A_33] : memref<16x8x128xi32, #tpu.memory_space<hbm>> -> memref<1x8x128xi32, #tpu.memory_space<hbm>>
      %dma_wait3A_35 = tpu.memref_squeeze %dma_wait3A_34 : memref<1x8x128xi32, #tpu.memory_space<hbm>> -> memref<8x128xi32, #tpu.memory_space<hbm>>
      tpu.wait_dma2 semaphore(%run_scoped3A : memref<!tpu.dma_semaphore, #tpu.memory_space<semaphore_mem>>) src(%dma_wait3A_35 : memref<8x128xi32, #tpu.memory_space<hbm>>) dst(%arg7 : memref<8x128xi32, #tpu.memory_space<vmem>>)
      tpu.yield
    }) : () -> ()
    %scan3A_17 = arith.constant 0 : i32
    %scan3A_18 = arith.constant 5 : i32
    %scan3A_19 = arith.addi %scan3A_17, %scan3A_18 : i32
    %scan3A_20 = arith.constant 1 : i32
    scf.for %scan3A_22 = %scan3A_17 to %scan3A_19 step %scan3A_20  : i32 {
      %mul3A_23 = arith.constant 1 : i32
      %mul3A_24 = arith.muli %scan3A_22, %mul3A_23 : i32
      %add3A_25 = arith.constant 0 : i32
      %add3A_26 = arith.addi %add3A_25, %mul3A_24 : i32
      "tpu.region"() ({
        %run_scoped3A = tpu.sem_alloc : memref<!tpu.dma_semaphore, #tpu.memory_space<semaphore_mem>>
        %dma_start3A = arith.constant 0 : i32
        %dma_start3A_32 = tpu.memref_slice %arg7[%add3A_26, %dma_start3A] : memref<8x128xi32, #tpu.memory_space<vmem>> -> memref<1x128xi32, #tpu.memory_space<vmem>>
        %dma_start3A_33 = tpu.memref_squeeze %dma_start3A_32 : memref<1x128xi32, #tpu.memory_space<vmem>> -> memref<128xi32, #tpu.memory_space<vmem>>
        %dma_start3A_34 = arith.constant 0 : i32
        %dma_start3A_35 = arith.constant 0 : i32
        %dma_start3A_36 = tpu.memref_slice %arg6[%dma_start3A_34, %dma_start3A_35] : memref<10240x128xf32, #tpu.memory_space<vmem_shared>> -> memref<10240x128xf32, #tpu.memory_space<vmem_shared>>
        tpu.enqueue_indirect_dma source(%dma_start3A_36 : memref<10240x128xf32, #tpu.memory_space<vmem_shared>>) target(%arg8 : memref<128x128xf32, #tpu.memory_space<vmem>>) offsets(%dma_start3A_33 : memref<128xi32, #tpu.memory_space<vmem>>) semaphore(%run_scoped3A : memref<!tpu.dma_semaphore, #tpu.memory_space<semaphore_mem>>)
        %dma_wait3A = arith.constant 0 : i32
        %dma_wait3A_37 = tpu.memref_slice %arg7[%add3A_26, %dma_wait3A] : memref<8x128xi32, #tpu.memory_space<vmem>> -> memref<1x128xi32, #tpu.memory_space<vmem>>
        %dma_wait3A_38 = tpu.memref_squeeze %dma_wait3A_37 : memref<1x128xi32, #tpu.memory_space<vmem>> -> memref<128xi32, #tpu.memory_space<vmem>>
        %dma_wait3A_39 = arith.constant 0 : i32
        %dma_wait3A_40 = arith.constant 0 : i32
        %dma_wait3A_41 = tpu.memref_slice %arg6[%dma_wait3A_39, %dma_wait3A_40] : memref<10240x128xf32, #tpu.memory_space<vmem_shared>> -> memref<10240x128xf32, #tpu.memory_space<vmem_shared>>
        tpu.wait_indirect_dma semaphore(%run_scoped3A : memref<!tpu.dma_semaphore, #tpu.memory_space<semaphore_mem>>) src(%dma_wait3A_41 : memref<10240x128xf32, #tpu.memory_space<vmem_shared>>) dst(%arg8 : memref<128x128xf32, #tpu.memory_space<vmem>>)
        tpu.yield
      }) : () -> ()
      %mul3A_27 = arith.constant 640 : i32
      %mul3A_28 = arith.muli %arg1, %mul3A_27 : i32
      %mul3A_29 = arith.constant 128 : i32
      %mul3A_30 = arith.muli %add3A_26, %mul3A_29 : i32
      %add3A_31 = arith.addi %mul3A_28, %mul3A_30 : i32
      "tpu.region"() ({
        %run_scoped3A = tpu.sem_alloc : memref<!tpu.dma_semaphore, #tpu.memory_space<semaphore_mem>>
        %dma_start3A = arith.constant 0 : i32
        %dma_start3A_32 = tpu.memref_slice %arg5[%arg0, %add3A_31, %dma_start3A] : memref<2x10240x128xf32, #tpu.memory_space<hbm>> -> memref<1x128x128xf32, #tpu.memory_space<hbm>>
        %dma_start3A_33 = tpu.memref_squeeze %dma_start3A_32 : memref<1x128x128xf32, #tpu.memory_space<hbm>> -> memref<128x128xf32, #tpu.memory_space<hbm>>
        %dma_start3A_34 = arith.constant 0 : i32
        %dma_start3A_35 = tpu.memref_slice %arg5[%arg0, %add3A_31, %dma_start3A_34] : memref<2x10240x128xf32, #tpu.memory_space<hbm>> -> memref<1x128x128xf32, #tpu.memory_space<hbm>>
        %dma_start3A_36 = tpu.memref_squeeze %dma_start3A_35 : memref<1x128x128xf32, #tpu.memory_space<hbm>> -> memref<128x128xf32, #tpu.memory_space<hbm>>
        tpu.enqueue_dma source(%arg8 : memref<128x128xf32, #tpu.memory_space<vmem>>) target(%dma_start3A_36 : memref<128x128xf32, #tpu.memory_space<hbm>>) target_semaphore(%run_scoped3A : memref<!tpu.dma_semaphore, #tpu.memory_space<semaphore_mem>>)
        %dma_wait3A = arith.constant 0 : i32
        %dma_wait3A_37 = tpu.memref_slice %arg5[%arg0, %add3A_31, %dma_wait3A] : memref<2x10240x128xf32, #tpu.memory_space<hbm>> -> memref<1x128x128xf32, #tpu.memory_space<hbm>>
        %dma_wait3A_38 = tpu.memref_squeeze %dma_wait3A_37 : memref<1x128x128xf32, #tpu.memory_space<hbm>> -> memref<128x128xf32, #tpu.memory_space<hbm>>
        %dma_wait3A_39 = arith.constant 0 : i32
        %dma_wait3A_40 = tpu.memref_slice %arg5[%arg0, %add3A_31, %dma_wait3A_39] : memref<2x10240x128xf32, #tpu.memory_space<hbm>> -> memref<1x128x128xf32, #tpu.memory_space<hbm>>
        %dma_wait3A_41 = tpu.memref_squeeze %dma_wait3A_40 : memref<1x128x128xf32, #tpu.memory_space<hbm>> -> memref<128x128xf32, #tpu.memory_space<hbm>>
        tpu.wait_dma2 semaphore(%run_scoped3A : memref<!tpu.dma_semaphore, #tpu.memory_space<semaphore_mem>>) src(%arg8 : memref<128x128xf32, #tpu.memory_space<vmem>>) dst(%dma_wait3A_41 : memref<128x128xf32, #tpu.memory_space<hbm>>)
        tpu.yield
      }) : () -> ()
    }
    %scan3A_21 = arith.constant 5 : i32
    return
  }
}

module attributes {stable_mosaic.version = 14 : i64} {
  func.func @_emb_body(%arg0: memref<10000x128xf32, #tpu.memory_space<vmem>>, %arg1: memref<128x128xf32, #tpu.memory_space<vmem>>, %arg2: memref<1x128xf32, #tpu.memory_space<vmem>>, %arg3: memref<10000x128xf32, #tpu.memory_space<vmem>>, %arg4: memref<128x128xf32, #tpu.memory_space<vmem>>, %arg5: memref<1x128xf32, #tpu.memory_space<vmem>>, %arg6: memref<10000x128xf32, #tpu.memory_space<vmem>>, %arg7: memref<10000x128xf32, #tpu.memory_space<vmem>>) attributes {dimension_semantics = [], scalar_prefetch = 0 : i64, scratch_operands = 0 : i64, tpu.core_type = #tpu.core_type<tc>} {
    %get3A = arith.constant 0 : index
    %get3A_0 = arith.constant 0 : index
    %get3A_1 = vector.load %arg0[%get3A, %get3A_0] : memref<10000x128xf32, #tpu.memory_space<vmem>>, vector<10000x128xf32>
    %get3A_2 = arith.constant 0 : index
    %get3A_3 = arith.constant 0 : index
    %get3A_4 = vector.load %arg1[%get3A_2, %get3A_3] : memref<128x128xf32, #tpu.memory_space<vmem>>, vector<128x128xf32>
    %dot_general3A = arith.constant dense<0.000000e+00> : vector<10000x128xf32>
    %dot_general3A_5 = tpu.matmul %get3A_1, %get3A_4, %dot_general3A {dimension_numbers = #tpu.dot_dimension_numbers<[1], [0], [0], [1], [0, 0, 1, 1], [], []>, transpose_lhs_hint = false} : vector<10000x128xf32>, vector<128x128xf32>, vector<10000x128xf32> -> vector<10000x128xf32>
    %get3A_6 = arith.constant 0 : index
    %get3A_7 = arith.constant 0 : index
    %get3A_8 = vector.load %arg2[%get3A_6, %get3A_7] : memref<1x128xf32, #tpu.memory_space<vmem>>, vector<1x128xf32>
    %add3A = vector.broadcast %get3A_8 : vector<1x128xf32> to vector<10000x128xf32>
    %add3A_9 = arith.addf %dot_general3A_5, %add3A : vector<10000x128xf32>
    %swap3A = arith.constant 0 : index
    %swap3A_10 = arith.constant 0 : index
    %swap3A_11 = vector.load %arg6[%swap3A, %swap3A_10] : memref<10000x128xf32, #tpu.memory_space<vmem>>, vector<10000x128xf32>
    tpu.vector_store %arg6[%swap3A, %swap3A_10], %add3A_9 {strides = array<i32>} : memref<10000x128xf32, #tpu.memory_space<vmem>>, vector<10000x128xf32>,
    %get3A_12 = arith.constant 0 : index
    %get3A_13 = arith.constant 0 : index
    %get3A_14 = vector.load %arg3[%get3A_12, %get3A_13] : memref<10000x128xf32, #tpu.memory_space<vmem>>, vector<10000x128xf32>
    %get3A_15 = arith.constant 0 : index
    %get3A_16 = arith.constant 0 : index
    %get3A_17 = vector.load %arg4[%get3A_15, %get3A_16] : memref<128x128xf32, #tpu.memory_space<vmem>>, vector<128x128xf32>
    %dot_general3A_18 = arith.constant dense<0.000000e+00> : vector<10000x128xf32>
    %dot_general3A_19 = tpu.matmul %get3A_14, %get3A_17, %dot_general3A_18 {dimension_numbers = #tpu.dot_dimension_numbers<[1], [0], [0], [1], [0, 0, 1, 1], [], []>, transpose_lhs_hint = false} : vector<10000x128xf32>, vector<128x128xf32>, vector<10000x128xf32> -> vector<10000x128xf32>
    %get3A_20 = arith.constant 0 : index
    %get3A_21 = arith.constant 0 : index
    %get3A_22 = vector.load %arg5[%get3A_20, %get3A_21] : memref<1x128xf32, #tpu.memory_space<vmem>>, vector<1x128xf32>
    %add3A_23 = vector.broadcast %get3A_22 : vector<1x128xf32> to vector<10000x128xf32>
    %add3A_24 = arith.addf %dot_general3A_19, %add3A_23 : vector<10000x128xf32>
    %swap3A_25 = arith.constant 0 : index
    %swap3A_26 = arith.constant 0 : index
    %swap3A_27 = vector.load %arg7[%swap3A_25, %swap3A_26] : memref<10000x128xf32, #tpu.memory_space<vmem>>, vector<10000x128xf32>
    tpu.vector_store %arg7[%swap3A_25, %swap3A_26], %add3A_24 {strides = array<i32>} : memref<10000x128xf32, #tpu.memory_space<vmem>>, vector<10000x128xf32>,
    return
  }
}

module attributes {stable_mosaic.version = 14 : i64} {
  func.func @_out_body(%arg0: memref<10000x128xf32, #tpu.memory_space<vmem>>, %arg1: memref<2x10240x128xf32, #tpu.memory_space<vmem>>, %arg2: memref<2x10240x128xf32, #tpu.memory_space<vmem>>, %arg3: memref<16x128xf32, #tpu.memory_space<vmem>>, %arg4: memref<128x128xf32, #tpu.memory_space<vmem>>, %arg5: memref<1x128xf32, #tpu.memory_space<vmem>>, %arg6: memref<10000x128xf32, #tpu.memory_space<vmem>>) attributes {dimension_semantics = [], scalar_prefetch = 0 : i64, scratch_operands = 0 : i64, tpu.core_type = #tpu.core_type<tc>} {
    %get3A = arith.constant 0 : index
    %get3A_0 = arith.constant 0 : index
    %get3A_1 = arith.constant 0 : index
    %get3A_2 = vector.load %arg1[%get3A, %get3A_0, %get3A_1] : memref<2x10240x128xf32, #tpu.memory_space<vmem>>, vector<1x10000x128xf32>
    %get3A_3 = vector.shape_cast %get3A_2 : vector<1x10000x128xf32> to vector<10000x128xf32>
    %get3A_4 = arith.constant 1 : index
    %get3A_5 = arith.constant 0 : index
    %get3A_6 = arith.constant 0 : index
    %get3A_7 = vector.load %arg1[%get3A_4, %get3A_5, %get3A_6] : memref<2x10240x128xf32, #tpu.memory_space<vmem>>, vector<1x10000x128xf32>
    %get3A_8 = vector.shape_cast %get3A_7 : vector<1x10000x128xf32> to vector<10000x128xf32>
    %add3A = arith.addf %get3A_3, %get3A_8 : vector<10000x128xf32>
    %get3A_9 = arith.constant 0 : index
    %get3A_10 = arith.constant 0 : index
    %get3A_11 = arith.constant 0 : index
    %get3A_12 = vector.load %arg2[%get3A_9, %get3A_10, %get3A_11] : memref<2x10240x128xf32, #tpu.memory_space<vmem>>, vector<1x10000x16xf32>
    %get3A_13 = vector.shape_cast %get3A_12 : vector<1x10000x16xf32> to vector<10000x16xf32>
    %get3A_14 = arith.constant 1 : index
    %get3A_15 = arith.constant 0 : index
    %get3A_16 = arith.constant 0 : index
    %get3A_17 = vector.load %arg2[%get3A_14, %get3A_15, %get3A_16] : memref<2x10240x128xf32, #tpu.memory_space<vmem>>, vector<1x10000x16xf32>
    %get3A_18 = vector.shape_cast %get3A_17 : vector<1x10000x16xf32> to vector<10000x16xf32>
    %add3A_19 = arith.addf %get3A_13, %get3A_18 : vector<10000x16xf32>
    %get3A_20 = arith.constant 0 : index
    %get3A_21 = arith.constant 0 : index
    %get3A_22 = vector.load %arg3[%get3A_20, %get3A_21] : memref<16x128xf32, #tpu.memory_space<vmem>>, vector<16x128xf32>
    %get3A_23 = arith.constant 0 : index
    %get3A_24 = arith.constant 0 : index
    %get3A_25 = vector.load %arg4[%get3A_23, %get3A_24] : memref<128x128xf32, #tpu.memory_space<vmem>>, vector<128x128xf32>
    %dot_general3A = arith.constant dense<0.000000e+00> : vector<16x128xf32>
    %dot_general3A_26 = tpu.matmul %get3A_22, %get3A_25, %dot_general3A {dimension_numbers = #tpu.dot_dimension_numbers<[1], [0], [0], [1], [0, 0, 1, 1], [], []>, transpose_lhs_hint = false} : vector<16x128xf32>, vector<128x128xf32>, vector<16x128xf32> -> vector<16x128xf32>
    %get3A_27 = arith.constant 0 : index
    %get3A_28 = arith.constant 0 : index
    %get3A_29 = vector.load %arg4[%get3A_27, %get3A_28] : memref<128x128xf32, #tpu.memory_space<vmem>>, vector<128x128xf32>
    %dot_general3A_30 = arith.constant dense<0.000000e+00> : vector<10000x128xf32>
    %dot_general3A_31 = tpu.matmul %add3A, %get3A_29, %dot_general3A_30 {dimension_numbers = #tpu.dot_dimension_numbers<[1], [0], [0], [1], [0, 0, 1, 1], [], []>, transpose_lhs_hint = false} : vector<10000x128xf32>, vector<128x128xf32>, vector<10000x128xf32> -> vector<10000x128xf32>
    %dot_general3A_32 = arith.constant dense<0.000000e+00> : vector<10000x128xf32>
    %dot_general3A_33 = tpu.matmul %add3A_19, %dot_general3A_26, %dot_general3A_32 {dimension_numbers = #tpu.dot_dimension_numbers<[1], [0], [0], [1], [0, 0, 1, 1], [], []>, transpose_lhs_hint = false} : vector<10000x16xf32>, vector<16x128xf32>, vector<10000x128xf32> -> vector<10000x128xf32>
    %add3A_34 = arith.addf %dot_general3A_31, %dot_general3A_33 : vector<10000x128xf32>
    %get3A_35 = arith.constant 0 : index
    %get3A_36 = arith.constant 0 : index
    %get3A_37 = vector.load %arg0[%get3A_35, %get3A_36] : memref<10000x128xf32, #tpu.memory_space<vmem>>, vector<10000x128xf32>
    %add3A_38 = arith.addf %get3A_37, %add3A_34 : vector<10000x128xf32>
    %get3A_39 = arith.constant 0 : index
    %get3A_40 = arith.constant 0 : index
    %get3A_41 = vector.load %arg5[%get3A_39, %get3A_40] : memref<1x128xf32, #tpu.memory_space<vmem>>, vector<1x128xf32>
    %add3A_42 = vector.broadcast %get3A_41 : vector<1x128xf32> to vector<10000x128xf32>
    %add3A_43 = arith.addf %add3A_38, %add3A_42 : vector<10000x128xf32>
    %max3A = arith.constant 0.000000e+00 : f32
    %max3A_44 = vector.broadcast %max3A : f32 to vector<10000x128xf32>
    %max3A_45 = arith.maximumf %add3A_43, %max3A_44 : vector<10000x128xf32>
    %swap3A = arith.constant 0 : index
    %swap3A_46 = arith.constant 0 : index
    %swap3A_47 = vector.load %arg6[%swap3A, %swap3A_46] : memref<10000x128xf32, #tpu.memory_space<vmem>>, vector<10000x128xf32>
    tpu.vector_store %arg6[%swap3A, %swap3A_46], %max3A_45 {strides = array<i32>} : memref<10000x128xf32, #tpu.memory_space<vmem>>, vector<10000x128xf32>,
    return
  }
}

</mosaic_0001>

<sc_bundles>
// kernel: kernel.6.cloned.1.call-start
scs
__scs_entry_jumppad:
0x0: {  	(pc) =	sbr.rel $0x88, $3  }
0x1: {  	(tag) =	ssettag $0x0;
	lr =	simm.s32 $0x1  }
0x2: {  	[smem:$0x3F96] =	sst lr;
	_ =	strace $0xD0000000  }
0x3: {  	_ = 	snop  }
0x4: {  	_ = 	snop  }
0x5: {  	_ = 	snop  }
0x6: {  	_ = 	snop  }
0x7: {  	_ = 	snop  }
__scs_overlays_trampoline_lowered:
0x8: {  	[smem:$0x3FA5] =	sst s0  }
0x9: {  	[smem:$0x3FA6] =	sst s1  }
0xa: {  	[smem:$0x3FA7] =	sst s2  }
0xb: {  	[smem:$0x3FA8] =	sst s3  }
0xc: {  	[smem:$0x3FA9] =	sst s4  }
0xd: {  	[smem:$0x3FAA] =	sst s5  }
0xe: {  	[smem:$0x3FAB] =	sst s6  }
0xf: {  	[smem:$0x3FAC] =	sst s7  }
0x10: {  	[smem:$0x3FAD] =	sst s8  }
0x11: {  	[smem:$0x3FAE] =	sst s9;
	s0 =	simm.s32 @!p0 $0x0  }
0x12: {  	s1 =	sld [smem:$0x3F94];
	s0 =	simm.s32 @p0 $0x1  }
0x13: {  	[smem:$0x3FAF] =	sst s0;
	s0 =	simm.s32 @!p1 $0x0  }
0x14: {  	s2 =	sld [smem:$0x3F93];
	s0 =	simm.s32 @p1 $0x1  }
0x15: {  	[smem:$0x3FB0] =	sst s0;
	s0 =	simm.s32 @!p2 $0x0  }
0x16: {  	s3 =	sld [smem:$0x3FDB];
	s0 =	simm.s32 @p2 $0x1  }
0x17: {  	s4 =	simm.s32 $0x1BF5;
	[smem:$0x3FB2] =	sst s0  }
0x18: {  	s0 =	sld [smem:$0x3F95];
	_ =	swait.ge [sflag:s4], $0x0  }
0x19: {  	s7 =	sld [smem:$0x3F96]  }
0x1a: {  	s8 =	sadd.s32 $0xFFFFE003, lr  }
0x1b: {  	s9 =	sadd.s32 $0xFFFFFEF7, lr;
	s5 =	simm.s32 $0xFFFFFFFF;
	p2 =	slt.u32 s8, $0xFFFFF086  }
0x1c: {  	p1 =	slt.u32 s9, $0xF7A;
	s5 =	simm.s32 @!p2 $0x0  }
0x1d: {  	s5 =	simm.s32 @p1 $0x1;
	p0 =	seq.s32 s7, s2  }
0x1e: {  	s7 =	smul.u32 @!p0 $0xF7A, s2;
	p2 =	seq.s32 @!p0 s5, $0x0  }
0x1f: {  	s9 =	smul.u32 $0xF7A, s1;
	s8 =	simm.s32 @!p0 $0x1BF5;
	p2 =	por !p2, p0  }
0x20: {  	[sflag:s8] =	ssyncset.s32 @!p0 $0xFFFFF086;
	s6 =	sadd.s32 @!p0 s3, s7;
	s7 =	simm.s32 @!p0 $0x108  }
0x21: {  	s3 =	sadd.s32 s3, s9;
	s6 =	sadd.s32 @!p0 $0x88, s6;
	s7 =	simm.s32 @p2 $0x1082  }
0x22: {  	[simem:s7], [sflag:s8] =	dma.local @!p0 [hbm:s6], $0xF7A  }
0x23: {  	s9 =	sor.u32 $0xD0000000, s2;
	s6 =	simm.s32 $0x108;
	_ =	swait.ge @!p0 [sflag:s8], $0x0  }
0x24: {  	s3 =	sadd.s32 $0x88, s3;
	s6 =	simm.s32 @!p1 $0x1082;
	[sflag:s4] =	ssyncset.s32 $0xFFFFF086  }
0x25: {  	[simem:s6], [sflag:s4] =	dma.local [hbm:s3], $0xF7A  }
0x26: {  	[smem:$0x3F96] =	sst s1;
	(tag) =	ssettag s2;
	_ =	strace s9  }
0x27: {  	s1 =	sld [smem:$0x3FA6]  }
0x28: {  	s2 =	sld [smem:$0x3FA7]  }
0x29: {  	s4 =	sld [smem:$0x3FA9]  }
0x2a: {  	p0 =	seq.s32 s5, $0x0;
	s5 =	sld [smem:$0x3FAA]  }
0x2b: {  	s6 =	sld [smem:$0x3FAB]  }
0x2c: {  	s7 =	sld [smem:$0x3FAC]  }
0x2d: {  	s3 =	simm.s32 $0x108;
	s8 =	sld [smem:$0x3FAD]  }
0x2e: {  	s3 =	simm.s32 @!p0 $0x1082;
	s9 =	sld [smem:$0x3FAE]  }
0x2f: {  	lr =	sadd.s32 s0, s3;
	s0 =	sld [smem:$0x3FA5]  }
0x30: {  	s3 =	sld [smem:$0x3FA8]  }
0x31: {  	[smem:$0x3FB1] =	sst s10  }
0x32: {  	s10 =	sld [smem:$0x3FAF];
	_ =	sdelay $0x3  }
0x33: {  	p0 =	seq.s32 s10, $0x1;
	s10 =	sld [smem:$0x3FB1];
	_ =	sdelay $0x3  }
0x34: {  	[smem:$0x3FB1] =	sst s10  }
0x35: {  	s10 =	sld [smem:$0x3FB0];
	_ =	sdelay $0x3  }
0x36: {  	p1 =	seq.s32 s10, $0x1;
	s10 =	sld [smem:$0x3FB1];
	_ =	sdelay $0x3  }
0x37: {  	[smem:$0x3FB1] =	sst s10  }
0x38: {  	s10 =	sld [smem:$0x3FB2]  }
0x39: {  	_ = 	snop;
	(pc) =	sbr.ind lr, $3  }
0x3a: {  	_ = 	snop  }
0x3b: {  	_ = 	snop  }
0x3c: {  	p2 =	seq.s32 s10, $0x1;
	s10 =	sld [smem:$0x3FB1]  }
0x3d: {  	_ =	shalt  }
0x3e: {  	_ =	shalt  }
0x3f: {  	_ =	shalt  }
0x40: {  	_ =	shalt  }
0x41: {  	_ =	shalt  }
0x42: {  	_ =	shalt  }
0x43: {  	_ =	shalt  }
0x44: {  	_ =	shalt  }
0x45: {  	_ =	shalt  }
0x46: {  	_ =	shalt  }
0x47: {  	_ =	shalt  }
0x48: {  	_ =	shalt  }
0x49: {  	_ =	shalt  }
0x4a: {  	_ =	shalt  }
0x4b: {  	_ =	shalt  }
0x4c: {  	_ =	shalt  }
0x4d: {  	_ =	shalt  }
0x4e: {  	_ =	shalt  }
0x4f: {  	_ =	shalt  }
0x50: {  	_ =	shalt  }
0x51: {  	_ =	shalt  }
0x52: {  	_ =	shalt  }
0x53: {  	_ =	shalt  }
0x54: {  	_ =	shalt  }
0x55: {  	_ =	shalt  }
0x56: {  	_ =	shalt  }
0x57: {  	_ =	shalt  }
0x58: {  	_ =	shalt  }
0x59: {  	_ =	shalt  }
0x5a: {  	_ =	shalt  }
0x5b: {  	_ =	shalt  }
0x5c: {  	_ =	shalt  }
0x5d: {  	_ =	shalt  }
0x5e: {  	_ =	shalt  }
0x5f: {  	_ =	shalt  }
0x60: {  	_ =	shalt  }
0x61: {  	_ =	shalt  }
0x62: {  	_ =	shalt  }
0x63: {  	_ =	shalt  }
0x64: {  	_ =	shalt  }
0x65: {  	_ =	shalt  }
0x66: {  	_ =	shalt  }
0x67: {  	_ =	shalt  }
0x68: {  	_ =	shalt  }
0x69: {  	_ =	shalt  }
0x6a: {  	_ =	shalt  }
0x6b: {  	_ =	shalt  }
0x6c: {  	_ =	shalt  }
0x6d: {  	_ =	shalt  }
0x6e: {  	_ =	shalt  }
0x6f: {  	_ =	shalt  }
0x70: {  	_ =	shalt  }
0x71: {  	_ =	shalt  }
0x72: {  	_ =	shalt  }
0x73: {  	_ =	shalt  }
0x74: {  	_ =	shalt  }
0x75: {  	_ =	shalt  }
0x76: {  	_ =	shalt  }
0x77: {  	_ =	shalt  }
0x78: {  	_ =	shalt  }
0x79: {  	_ =	shalt  }
0x7a: {  	_ =	shalt  }
0x7b: {  	_ =	shalt  }
0x7c: {  	_ =	shalt  }
0x7d: {  	_ =	shalt  }
0x7e: {  	_ =	shalt  }
0x7f: {  	_ =	shalt  }
0x80: {  	_ =	shalt  }
0x81: {  	_ =	shalt  }
0x82: {  	_ =	shalt  }
0x83: {  	_ =	shalt  }
0x84: {  	_ =	shalt  }
0x85: {  	_ =	shalt  }
0x86: {  	_ =	shalt  }
0x87: {  	_ =	shalt  }
.Lfunc_end0:
.L_simem_size_0:
called_computation_lowered:
.L_overlay_start_0:
0x88: {  	s2 =	sld [smem:$0x3FD9]  }
0x89: {  	s3 =	sld [smem:$0x3FFE];
	_ =	sdelay $0x1  }
0x8a: {  	s1 =	srdreg.scid  }
0x8b: {  	s0 =	sand.u32 $0x1, s1  }
0x8c: {  	s16 =	sshll.u32 s0, $0xA;
	s2 =	sadd.s32 s3, s2  }
0x8d: {  	s2 =	sadd.s32 s2, s16  }
0x8e: {  	[smem:$0x3FBD] =	sst s2  }
0x8f: {  	_ = 	snop  }
0x90: {  	(tm) =	ssettm $0x1  }
0x91: {  	s17 =	sld [smem:$0x3FFB];
	_ =	sdelay $0x3  }
0x92: {  	_ =	strace s17  }
0x93: {  	s2 =	sld [smem:$0x3FFC];
	_ =	sdelay $0x3  }
0x94: {  	_ =	strace s2  }
0x95: {  	s2 =	sld [smem:$0x3FFD];
	_ =	sdelay $0x3  }
0x96: {  	_ =	strace s2  }
0x97: {  	_ =	strace $0x8FFFFFFF  }
0x98: {  	s18 =	sld [smem:$0x3FDB];
	_ =	sdelay $0x1  }
0x99: {  	s19 =	simm.s32 $_scs_section_size  }
0x9a: {  	s4 =	simm.s32 $_size__tile_overlayer_lowered;
	s5 =	simm.s32 $_tile_overlayer_lowered  }
0x9b: {  	s22 =	simm.s32 $0x1BFF;
	s21 =	sshll.u32 s5, $0x1;
	s2 =	sadd.s32 s19, s18  }
0x9c: {  	s6 =	simm.s32 $0x0;
	s20 =	sshll.u32 s4, $0x1;
	s4 =	sadd.s32 s21, s2  }
0x9d: {  	[timem:s6], [sflag:s22] =	dma.local [hbm:s4], s20  }
0x9e: {  	_ =	swait.ge [sflag:s22], s20  }
0x9f: {  	s3 =	ssub.s32 $0x0, s20;
	[sflag:s22] =	ssyncset.done $0x0  }
0xa0: {  	[sflag:s22] =	ssyncadd.s32 s3;
	_ =	sdelay $0x1  }
0xa1: {  	s23 =	simm.s32 $0x1B8B  }
0xa2: {  	_ =	swait.ge [sflag:s23], $0x1  }
0xa3: {  	[sflag:s23] =	ssyncset.done $0x0  }
0xa4: {  	s25 =	simm.s32 $0x1B8E;
	s24 =	sld [smem:$0x3FFE];
	[sflag:s23] =	ssyncadd.s32 $0xFFFFFFFF  }
0xa5: {  	s26 =	simm.s32 $execute0_lowered;
	[smem:$0x3FD2] =	sst s25  }
0xa6: {  	s4 =	sshll.u32 s26, $0x1;
	_ =	strace $0x80000046;
	[dreg:$0x1] =	wrdreg $0xFFFFFFFF  }
0xa7: {  	s28 =	simm.s32 $_size_execute0_lowered;
	s2 =	sadd.s32 s2, s4;
	[dreg:$0x0] =	wrdreg $0x0  }
0xa8: {  	s4 =	sshll.u32 s28, $0x1;
	[dreg:$0x2] =	wrdreg s2  }
0xa9: {  	[dreg:$0x3] =	wrdreg s4  }
0xaa: {  	[dreg:$0x4] =	wrdreg $0xC0  }
0xab: {  	_ =	task [dreg:s6], $0x5FFFF  }
0xac: {  	[dreg:$0x1] =	wrdreg $0xFFFFFFFF  }
0xad: {  	[dreg:$0x0] =	wrdreg $0x60  }
0xae: {  	[dreg:$0x2] =	wrdreg s24  }
0xaf: {  	[dreg:$0x3] =	wrdreg $0x0  }
0xb0: {  	[dreg:$0x4] =	wrdreg $0x9  }
0xb1: {  	_ =	task.clear_ibuf [dreg:s6], $0x5FFFF;
	_ =	strace $0x90000046  }
0xb2: {  	s29 =	simm.s32 $0x9;
	_ =	strace $0x80000048  }
0xb3: {  	_ =	swait.ge [sflag:s29], $0x1  }
0xb4: {  	[sflag:s29] =	ssyncadd.s32 $0xFFFFFFFF  }
0xb5: {  	_ =	strace $0x90000048  }
0xb6: {  	_ =	sfence  }
0xb7: {  	s30 =	sld [smem:$0x0];
	_ =	sdelay $0x2  }
0xb8: {  	s31 =	sshll.u32 s1, $0xD;
	s1 =	sshrl.u32 s1, $0x2  }
0xb9: {  	s3 =	sand.u32 $0x4000, s31;
	s1 =	sadd.s32 s1, s30  }
0xba: {  	s0 =	sor.u32 s3, s0;
	s1 =	sshll.u32 s1, $0x11  }
0xbb: {  	s0 =	sor.u32 s1, s0  }
0xbc: {  	s0 =	sadd.s32 $0x8F2B, s0  }
0xbd: {  	[sflag:s0] =	ssyncadd.remote.s32 $0x1  }
0xbe: {  	_ =	sfence.sel $0xFFFF  }
0xbf: {  	[dreg:$0x0] =	wrdreg $0xFFFFFFFF;
	(pc) =	sbr.abs _section_cstart, $3  }
0xc0: {  	[dreg:$0x1] =	wrdreg $0xFFFFFFFF  }
0xc1: {  	_ =	task.clear_ibuf [dreg:s6], $0x2FFFF;
	_ =	strace $0x9FFFFFFF  }
0xc2: {  	(tm) =	ssettm $0x7FFFFFFF  }
0xc3: {  	_ =	shalt  }
tec
execute0_lowered:
.L_overlay_start_1:
0x0: {  	(tag) =	ssettag $0x1  }
0x1: {  	s0 =	srdreg.scid;
	s1 =	rddreg [dreg:$0x0]  }
0x2: {  	s9 =	stileid.u32;
	s2 =	rddreg [dreg:$0x1]  }
0x3: {  	s3 =	simm.s32 $0x0;
	s13 =	simm.s32 $0x14400;
	s14 =	simm.s32 $0x3  }
0x4: {  	s15 =	simm.s32 $0x80;
	s16 =	simm.s32 $0x14800;
	s17 =	simm.s32 $0x14480  }
0x5: {  	s18 =	simm.s32 $0x14500;
	s28 =	simm.s32 $0x14180;
	s29 =	simm.s32 $0x14200  }
0x6: {  	s30 =	simm.s32 $0x14280;
	s31 =	simm.s32 $0x14300;
	s4 =	smul.u32 $0x5000, s9  }
0x7: {  	s0 =	sand.u32 $0x1, s0;
	[smem:$0x7FF] =	sst s3;
	s7 =	smul.u32 $0x14000, s9  }
0x8: {  	s20 =	sshll.u32 s9, $0x7;
	s9 =	simm.s32 $0x0;
	s5 =	smul.u32 $0x2800, s0  }
0x9: {  	s6 =	smul.u32 $0x140000, s0;
	_ =	strace $0x80000047;
	s0 =	ssub.s32 $0x2, s0  }
0xa: {  	s21 =	sshrl.u32 s0, $0x1;
	s5 =	sadd.s32 s5, s4;
	s4 =	sadd.s32 $0x17E00, s1  }
0xb: {  	s19 =	sadd.s32 s6, s7;
	s6 =	sadd.s32 s20, s1;
	s0 =	ssub.s32 s0, s21  }
0xc: {  	s20 =	simm.s32 $0x14600;
	s21 =	simm.s32 $0x14000;
	s5 =	sshrl.u32 s5, $0x3  }
0xd: {  	s7 =	simm.s32 $0x14780;
	s0 =	smax.u32 s0, $0x1;
	s8 =	sadd.s32 s5, s1  }
0xe: {  	s5 =	sshrl.u32 s19, $0x3;
	[dreg:$0x5] =	wrdreg s0;
	s25 =	sadd.s32 $0x3E00, s8  }
0xf: {  	s1 =	sadd.s32 s5, s1;
	s5 =	sadd.s32 $0x3600, s6;
	[dreg:$0x3] =	wrdreg s25  }
0x10: {  	s19 =	simm.s32 $0x14580;
	s22 =	sadd.s32 $0x3F000, s1;
	[dreg:$0x4] =	wrdreg s5  }
0x11: {  	s0 =	simm.s32 $0x14380;
	s23 =	sadd.s32 $0x3F800, s1;
	[dreg:$0x6] =	wrdreg s22  }
0x12: {  	s12 =	sadd.s32 $0xDE00, s8;
	s24 =	sadd.s32 $0x40000, s1;
	[dreg:$0x7] =	wrdreg s23  }
0x13: {  	s6 =	simm.s32 $0x14700;
	s26 =	sadd.s32 $0x40800, s1;
	[dreg:$0x8] =	wrdreg s24  }
0x14: {  	s1 =	sadd.s32 $0x41000, s1;
	s25 =	simm.s32 $0x2;
	[dreg:$0x9] =	wrdreg s26  }
0x15: {  	[dreg:$0xa] =	wrdreg s1;
	s22 =	simm.s32 $0x1;
	s23 =	simm.s32 $0x14080  }
0x16: {  	v0 =	vimm.f32 $0.0e+00;
	s24 =	simm.s32 $0x18800;
	s26 =	simm.s32 $0x14100;
	s1 =	simm.s32 $0x14680  }
.LBB2_1:
0x17: {  	[dreg:$0xb] =	wrdreg s9;
	s9 =	simm.s32 $0x0;
	s10 =	simm.s32 $0x200  }
.LBB2_2:
0x18: {  	p0 =	sne.s32 s10, $0xFE00;
	[tilespmem:s9+$0x14870] =	vst v0  }
0x19: {  	[tilespmem:s9+$0x14800] =	vst v0  }
0x1a: {  	[tilespmem:s9+$0x14810] =	vst v0  }
.Ltmp0:
0x1b: {  	[tilespmem:s9+$0x14820] =	vst v0;
	(pc) =	sbr.rel @p0 .LBB2_2-.Ltmp0, $4  }
0x1c: {  	[tilespmem:s9+$0x14830] =	vst v0  }
0x1d: {  	[tilespmem:s9+$0x14840] =	vst v0  }
0x1e: {  	[tilespmem:s9+$0x14850] =	vst v0  }
0x1f: {  	[tilespmem:s9+$0x14860] =	vst v0;
	s9 =	sshra.s32 s10, $0x2;
	s10 =	sadd.s32 $0x200, s10  }
0x20: {  	[tilespmem:s9+$0x14870] =	vst v0  }
0x21: {  	[tilespmem:s9+$0x14800] =	vst v0  }
0x22: {  	[tilespmem:s9+$0x14810] =	vst v0  }
0x23: {  	[tilespmem:s9+$0x14820] =	vst v0  }
0x24: {  	[tilespmem:s9+$0x14830] =	vst v0  }
0x25: {  	[tilespmem:s9+$0x14840] =	vst v0  }
0x26: {  	[tilespmem:s9+$0x14850] =	vst v0  }
0x27: {  	[tilespmem:s9+$0x14860] =	vst v0;
	s8 =	simm.s32 $0x0  }
0x28: {  	[tilespmem:s13], [sflag:$0x3] =	stream.linear.gather [hbm4b:s5+s8], $0x400, $0x38;
	[tilespmem:$0x1C800] =	vst v63  }
0x29: {  	_ =	swait.ge [sflag:s14], $0x400  }
0x2a: {  	[sflag:s14] =	ssyncset.done $0x0  }
0x2b: {  	[sflag:s14] =	ssyncadd.s32 $0xFFFFFC00  }
0x2c: {  	[spmem:s2] =	stream.indirect.scatter [tilespmem:s16], [sflag:$0x3], $0x80, s13, s15, $0xb8;
	[tilespmem:$0x1C800] =	vst v63  }
0x2d: {  	_ =	swait.ge [sflag:s14], $0x4000  }
0x2e: {  	[sflag:s14] =	ssyncset.done $0x0  }
0x2f: {  	[sflag:s14] =	ssyncadd.s32 $0xFFFFC000  }
0x30: {  	[spmem:s2] =	stream.indirect.scatter [tilespmem:s16], [sflag:$0x3], $0x80, s17, s15, $0xb8;
	[tilespmem:$0x1C800] =	vst v63  }
0x31: {  	_ =	swait.ge [sflag:s14], $0x4000  }
0x32: {  	[sflag:s14] =	ssyncset.done $0x0  }
0x33: {  	[sflag:s14] =	ssyncadd.s32 $0xFFFFC000  }
0x34: {  	[spmem:s2] =	stream.indirect.scatter [tilespmem:s16], [sflag:$0x3], $0x80, s18, s15, $0xb8;
	[tilespmem:$0x1C800] =	vst v63  }
0x35: {  	_ =	swait.ge [sflag:s14], $0x4000  }
0x36: {  	[sflag:s14] =	ssyncset.done $0x0  }
0x37: {  	[sflag:s14] =	ssyncadd.s32 $0xFFFFC000  }
0x38: {  	[spmem:s2] =	stream.indirect.scatter [tilespmem:s16], [sflag:$0x3], $0x80, s19, s15, $0xb8;
	[tilespmem:$0x1C800] =	vst v63  }
0x39: {  	_ =	swait.ge [sflag:s14], $0x4000  }
0x3a: {  	[sflag:s14] =	ssyncset.done $0x0  }
0x3b: {  	[sflag:s14] =	ssyncadd.s32 $0xFFFFC000  }
0x3c: {  	[spmem:s2] =	stream.indirect.scatter [tilespmem:s16], [sflag:$0x3], $0x80, s20, s15, $0xb8;
	[tilespmem:$0x1C800] =	vst v63  }
0x3d: {  	_ =	swait.ge [sflag:s14], $0x4000  }
0x3e: {  	[sflag:s14] =	ssyncset.done $0x0  }
0x3f: {  	[sflag:s14] =	ssyncadd.s32 $0xFFFFC000  }
0x40: {  	s10 =	sadd.s32 $0x0, s12;
	[bflag:$0x0] =	sbarrier.arrive $0xFFFF  }
0x41: {  	[tilespmem:s21], [sflag:$0x3] =	stream.linear.gather [hbm4b:s10+s3], $0x400, $0x38;
	[tilespmem:$0x1C800] =	vst v63  }
0x42: {  	_ =	swait.ge [sflag:s14], $0x400  }
0x43: {  	s11 =	rddreg [dreg:$0x3];
	[sflag:s14] =	ssyncset.done $0x0  }
0x44: {  	[sflag:s14] =	ssyncadd.s32 $0xFFFFFC00;
	s9 =	sadd.s32 $0x0, s11  }
0x45: {  	[tilespmem:s13], [sflag:$0x3] =	stream.linear.gather [hbm4b:s9+s3], $0x400, $0x38;
	[tilespmem:$0x1C800] =	vst v63  }
0x46: {  	_ =	swait.ge [sflag:s14], $0x400  }
0x47: {  	[sflag:s14] =	ssyncset.done $0x0  }
0x48: {  	[sflag:s14] =	ssyncadd.s32 $0xFFFFFC00  }
0x49: {  	[tilespmem:s16], [sflag:$0x1] =	stream.indirect.gather [hbm4b:s4+s15], $0x80, s21, s15, $0xb8;
	[tilespmem:$0x1C800] =	vst v63  }
0x4a: {  	_ =	swait.ge [sflag:s22], $0x4000  }
0x4b: {  	[sflag:s22] =	ssyncset.done $0x0  }
0x4c: {  	[sflag:s22] =	ssyncadd.s32 $0xFFFFC000  }
0x4d: {  	[tilespmem:s24], [sflag:$0x2] =	stream.indirect.gather [hbm4b:s4+s15], $0x80, s23, s15, $0xb8;
	[tilespmem:$0x1C800] =	vst v63  }
0x4e: {  	_ = 	snop  }
0x4f: {  	[spmem:s2] =	stream.indirect.scatter.add.f32 [tilespmem:s16], [sflag:$0x3], $0x80, s13, s15, $0xb8;
	[tilespmem:$0x1C800] =	vst v63  }
0x50: {  	_ =	swait.ge [sflag:s14], $0x4000  }
0x51: {  	[sflag:s14] =	ssyncset.done $0x0  }
0x52: {  	[sflag:s14] =	ssyncadd.s32 $0xFFFFC000  }
0x53: {  	_ =	swait.ge [sflag:s25], $0x4000  }
0x54: {  	[sflag:s25] =	ssyncset.done $0x0  }
0x55: {  	[sflag:s25] =	ssyncadd.s32 $0xFFFFC000  }
0x56: {  	[tilespmem:s16], [sflag:$0x1] =	stream.indirect.gather [hbm4b:s4+s15], $0x80, s26, s15, $0xb8;
	[tilespmem:$0x1C800] =	vst v63  }
0x57: {  	_ = 	snop  }
0x58: {  	[spmem:s2] =	stream.indirect.scatter.add.f32 [tilespmem:s24], [sflag:$0x3], $0x80, s17, s15, $0xb8;
	[tilespmem:$0x1C800] =	vst v63  }
0x59: {  	_ =	swait.ge [sflag:s14], $0x4000  }
0x5a: {  	[sflag:s14] =	ssyncset.done $0x0  }
0x5b: {  	[sflag:s14] =	ssyncadd.s32 $0xFFFFC000  }
0x5c: {  	_ =	swait.ge [sflag:s22], $0x4000  }
0x5d: {  	[sflag:s22] =	ssyncset.done $0x0  }
0x5e: {  	[sflag:s22] =	ssyncadd.s32 $0xFFFFC000  }
0x5f: {  	[tilespmem:s24], [sflag:$0x2] =	stream.indirect.gather [hbm4b:s4+s15], $0x80, s28, s15, $0xb8;
	[tilespmem:$0x1C800] =	vst v63  }
0x60: {  	_ = 	snop  }
0x61: {  	[spmem:s2] =	stream.indirect.scatter.add.f32 [tilespmem:s16], [sflag:$0x3], $0x80, s18, s15, $0xb8;
	[tilespmem:$0x1C800] =	vst v63  }
0x62: {  	_ =	swait.ge [sflag:s14], $0x4000  }
0x63: {  	[sflag:s14] =	ssyncset.done $0x0  }
0x64: {  	[sflag:s14] =	ssyncadd.s32 $0xFFFFC000  }
0x65: {  	_ =	swait.ge [sflag:s25], $0x4000  }
0x66: {  	[sflag:s25] =	ssyncset.done $0x0  }
0x67: {  	[sflag:s25] =	ssyncadd.s32 $0xFFFFC000  }
0x68: {  	[tilespmem:s16], [sflag:$0x1] =	stream.indirect.gather [hbm4b:s4+s15], $0x80, s29, s15, $0xb8;
	[tilespmem:$0x1C800] =	vst v63  }
0x69: {  	_ = 	snop  }
0x6a: {  	[spmem:s2] =	stream.indirect.scatter.add.f32 [tilespmem:s24], [sflag:$0x3], $0x80, s19, s15, $0xb8;
	[tilespmem:$0x1C800] =	vst v63  }
0x6b: {  	_ =	swait.ge [sflag:s14], $0x4000  }
0x6c: {  	[sflag:s14] =	ssyncset.done $0x0  }
0x6d: {  	[sflag:s14] =	ssyncadd.s32 $0xFFFFC000  }
0x6e: {  	_ =	swait.ge [sflag:s22], $0x4000  }
0x6f: {  	[sflag:s22] =	ssyncset.done $0x0  }
0x70: {  	[sflag:s22] =	ssyncadd.s32 $0xFFFFC000  }
0x71: {  	[tilespmem:s24], [sflag:$0x2] =	stream.indirect.gather [hbm4b:s4+s15], $0x80, s30, s15, $0xb8;
	[tilespmem:$0x1C800] =	vst v63  }
0x72: {  	_ = 	snop  }
0x73: {  	[spmem:s2] =	stream.indirect.scatter.add.f32 [tilespmem:s16], [sflag:$0x3], $0x80, s20, s15, $0xb8;
	[tilespmem:$0x1C800] =	vst v63  }
0x74: {  	_ =	swait.ge [sflag:s14], $0x4000  }
0x75: {  	[sflag:s14] =	ssyncset.done $0x0  }
0x76: {  	[sflag:s14] =	ssyncadd.s32 $0xFFFFC000  }
0x77: {  	_ =	swait.ge [sflag:s25], $0x4000  }
0x78: {  	[sflag:s25] =	ssyncset.done $0x0  }
0x79: {  	[sflag:s25] =	ssyncadd.s32 $0xFFFFC000  }
0x7a: {  	[tilespmem:s16], [sflag:$0x1] =	stream.indirect.gather [hbm4b:s4+s15], $0x80, s31, s15, $0xb8;
	[tilespmem:$0x1C800] =	vst v63  }
0x7b: {  	_ = 	snop  }
0x7c: {  	[spmem:s2] =	stream.indirect.scatter.add.f32 [tilespmem:s24], [sflag:$0x3], $0x80, s1, s15, $0xb8;
	[tilespmem:$0x1C800] =	vst v63  }
0x7d: {  	_ =	swait.ge [sflag:s14], $0x4000  }
0x7e: {  	[sflag:s14] =	ssyncset.done $0x0  }
0x7f: {  	[sflag:s14] =	ssyncadd.s32 $0xFFFFC000  }
0x80: {  	_ =	swait.ge [sflag:s22], $0x4000  }
0x81: {  	[sflag:s22] =	ssyncset.done $0x0  }
0x82: {  	[sflag:s22] =	ssyncadd.s32 $0xFFFFC000  }
0x83: {  	[tilespmem:s24], [sflag:$0x2] =	stream.indirect.gather [hbm4b:s4+s15], $0x80, s0, s15, $0xb8;
	[tilespmem:$0x1C800] =	vst v63  }
0x84: {  	_ = 	snop  }
0x85: {  	[spmem:s2] =	stream.indirect.scatter.add.f32 [tilespmem:s16], [sflag:$0x3], $0x80, s6, s15, $0xb8;
	[tilespmem:$0x1C800] =	vst v63  }
0x86: {  	_ =	swait.ge [sflag:s14], $0x4000  }
0x87: {  	[sflag:s14] =	ssyncset.done $0x0  }
0x88: {  	[sflag:s14] =	ssyncadd.s32 $0xFFFFC000  }
0x89: {  	_ =	swait.ge [sflag:s25], $0x4000  }
0x8a: {  	[sflag:s25] =	ssyncset.done $0x0  }
0x8b: {  	[sflag:s25] =	ssyncadd.s32 $0xFFFFC000  }
0x8c: {  	[spmem:s2] =	stream.indirect.scatter.add.f32 [tilespmem:s24], [sflag:$0x3], $0x80, s7, s15, $0xb8;
	[tilespmem:$0x1C800] =	vst v63  }
0x8d: {  	_ =	swait.ge [sflag:s14], $0x4000  }
0x8e: {  	s10 =	simm.s32 $0x100;
	s9 =	simm.s32 $0x80;
	[sflag:s14] =	ssyncset.done $0x0  }
.LBB2_4:
0x8f: {  	s5 =	sadd.s32 s9, s12;
	[sflag:s14] =	ssyncadd.s32 $0xFFFFC000  }
0x90: {  	[tilespmem:s21], [sflag:$0x3] =	stream.linear.gather [hbm4b:s5+s3], $0x400, $0x38;
	[tilespmem:$0x1C800] =	vst v63  }
0x91: {  	s8 =	smov.u32 s10;
	s11 =	sadd.s32 $0x80, s10;
	_ =	swait.ge [sflag:s14], $0x400  }
0x92: {  	p0 =	sne.s32 s10, $0x480;
	s10 =	rddreg [dreg:$0x3];
	[sflag:s14] =	ssyncset.done $0x0  }
0x93: {  	[sflag:s14] =	ssyncadd.s32 $0xFFFFFC00;
	s5 =	sadd.s32 s9, s10  }
0x94: {  	[tilespmem:s13], [sflag:$0x3] =	stream.linear.gather [hbm4b:s5+s3], $0x400, $0x38;
	[tilespmem:$0x1C800] =	vst v63  }
0x95: {  	_ =	swait.ge [sflag:s14], $0x400  }
0x96: {  	[sflag:s14] =	ssyncset.done $0x0  }
0x97: {  	[sflag:s14] =	ssyncadd.s32 $0xFFFFFC00  }
0x98: {  	[tilespmem:s16], [sflag:$0x1] =	stream.indirect.gather [hbm4b:s4+s15], $0x80, s21, s15, $0xb8;
	[tilespmem:$0x1C800] =	vst v63  }
0x99: {  	_ =	swait.ge [sflag:s22], $0x4000  }
0x9a: {  	[sflag:s22] =	ssyncset.done $0x0  }
0x9b: {  	[sflag:s22] =	ssyncadd.s32 $0xFFFFC000  }
0x9c: {  	[tilespmem:s24], [sflag:$0x2] =	stream.indirect.gather [hbm4b:s4+s15], $0x80, s23, s15, $0xb8;
	[tilespmem:$0x1C800] =	vst v63  }
0x9d: {  	_ = 	snop  }
0x9e: {  	[spmem:s2] =	stream.indirect.scatter.add.f32 [tilespmem:s16], [sflag:$0x3], $0x80, s13, s15, $0xb8;
	[tilespmem:$0x1C800] =	vst v63  }
0x9f: {  	_ =	swait.ge [sflag:s14], $0x4000  }
0xa0: {  	[sflag:s14] =	ssyncset.done $0x0  }
0xa1: {  	[sflag:s14] =	ssyncadd.s32 $0xFFFFC000  }
0xa2: {  	_ =	swait.ge [sflag:s25], $0x4000  }
0xa3: {  	[sflag:s25] =	ssyncset.done $0x0  }
0xa4: {  	[sflag:s25] =	ssyncadd.s32 $0xFFFFC000  }
0xa5: {  	[tilespmem:s16], [sflag:$0x1] =	stream.indirect.gather [hbm4b:s4+s15], $0x80, s26, s15, $0xb8;
	[tilespmem:$0x1C800] =	vst v63  }
0xa6: {  	_ = 	snop  }
0xa7: {  	[spmem:s2] =	stream.indirect.scatter.add.f32 [tilespmem:s24], [sflag:$0x3], $0x80, s17, s15, $0xb8;
	[tilespmem:$0x1C800] =	vst v63  }
0xa8: {  	_ =	swait.ge [sflag:s14], $0x4000  }
0xa9: {  	[sflag:s14] =	ssyncset.done $0x0  }
0xaa: {  	[sflag:s14] =	ssyncadd.s32 $0xFFFFC000  }
0xab: {  	_ =	swait.ge [sflag:s22], $0x4000  }
0xac: {  	[sflag:s22] =	ssyncset.done $0x0  }
0xad: {  	[sflag:s22] =	ssyncadd.s32 $0xFFFFC000  }
0xae: {  	[tilespmem:s24], [sflag:$0x2] =	stream.indirect.gather [hbm4b:s4+s15], $0x80, s28, s15, $0xb8;
	[tilespmem:$0x1C800] =	vst v63  }
0xaf: {  	_ = 	snop  }
0xb0: {  	[spmem:s2] =	stream.indirect.scatter.add.f32 [tilespmem:s16], [sflag:$0x3], $0x80, s18, s15, $0xb8;
	[tilespmem:$0x1C800] =	vst v63  }
0xb1: {  	_ =	swait.ge [sflag:s14], $0x4000  }
0xb2: {  	[sflag:s14] =	ssyncset.done $0x0  }
0xb3: {  	[sflag:s14] =	ssyncadd.s32 $0xFFFFC000  }
0xb4: {  	_ =	swait.ge [sflag:s25], $0x4000  }
0xb5: {  	[sflag:s25] =	ssyncset.done $0x0  }
0xb6: {  	[sflag:s25] =	ssyncadd.s32 $0xFFFFC000  }
0xb7: {  	[tilespmem:s16], [sflag:$0x1] =	stream.indirect.gather [hbm4b:s4+s15], $0x80, s29, s15, $0xb8;
	[tilespmem:$0x1C800] =	vst v63  }
0xb8: {  	_ = 	snop  }
0xb9: {  	[spmem:s2] =	stream.indirect.scatter.add.f32 [tilespmem:s24], [sflag:$0x3], $0x80, s19, s15, $0xb8;
	[tilespmem:$0x1C800] =	vst v63  }
0xba: {  	_ =	swait.ge [sflag:s14], $0x4000  }
0xbb: {  	[sflag:s14] =	ssyncset.done $0x0  }
0xbc: {  	[sflag:s14] =	ssyncadd.s32 $0xFFFFC000  }
0xbd: {  	_ =	swait.ge [sflag:s22], $0x4000  }
0xbe: {  	[sflag:s22] =	ssyncset.done $0x0  }
0xbf: {  	[sflag:s22] =	ssyncadd.s32 $0xFFFFC000  }
0xc0: {  	[tilespmem:s24], [sflag:$0x2] =	stream.indirect.gather [hbm4b:s4+s15], $0x80, s30, s15, $0xb8;
	[tilespmem:$0x1C800] =	vst v63  }
0xc1: {  	_ = 	snop  }
0xc2: {  	[spmem:s2] =	stream.indirect.scatter.add.f32 [tilespmem:s16], [sflag:$0x3], $0x80, s20, s15, $0xb8;
	[tilespmem:$0x1C800] =	vst v63  }
0xc3: {  	_ =	swait.ge [sflag:s14], $0x4000  }
0xc4: {  	[sflag:s14] =	ssyncset.done $0x0  }
0xc5: {  	[sflag:s14] =	ssyncadd.s32 $0xFFFFC000  }
0xc6: {  	_ =	swait.ge [sflag:s25], $0x4000  }
0xc7: {  	[sflag:s25] =	ssyncset.done $0x0  }
0xc8: {  	[sflag:s25] =	ssyncadd.s32 $0xFFFFC000  }
0xc9: {  	[tilespmem:s16], [sflag:$0x1] =	stream.indirect.gather [hbm4b:s4+s15], $0x80, s31, s15, $0xb8;
	[tilespmem:$0x1C800] =	vst v63  }
0xca: {  	_ = 	snop  }
0xcb: {  	[spmem:s2] =	stream.indirect.scatter.add.f32 [tilespmem:s24], [sflag:$0x3], $0x80, s1, s15, $0xb8;
	[tilespmem:$0x1C800] =	vst v63  }
0xcc: {  	_ =	swait.ge [sflag:s14], $0x4000  }
0xcd: {  	[sflag:s14] =	ssyncset.done $0x0  }
0xce: {  	[sflag:s14] =	ssyncadd.s32 $0xFFFFC000  }
0xcf: {  	_ =	swait.ge [sflag:s22], $0x4000  }
0xd0: {  	[sflag:s22] =	ssyncset.done $0x0  }
0xd1: {  	[sflag:s22] =	ssyncadd.s32 $0xFFFFC000  }
0xd2: {  	[tilespmem:s24], [sflag:$0x2] =	stream.indirect.gather [hbm4b:s4+s15], $0x80, s0, s15, $0xb8;
	[tilespmem:$0x1C800] =	vst v63  }
0xd3: {  	_ = 	snop  }
0xd4: {  	[spmem:s2] =	stream.indirect.scatter.add.f32 [tilespmem:s16], [sflag:$0x3], $0x80, s6, s15, $0xb8;
	[tilespmem:$0x1C800] =	vst v63  }
0xd5: {  	_ =	swait.ge [sflag:s14], $0x4000  }
0xd6: {  	[sflag:s14] =	ssyncset.done $0x0  }
0xd7: {  	[sflag:s14] =	ssyncadd.s32 $0xFFFFC000  }
0xd8: {  	_ =	swait.ge [sflag:s25], $0x4000  }
.Ltmp1:
0xd9: {  	[sflag:s25] =	ssyncset.done $0x0;
	(pc) =	sbr.rel @p0 .LBB2_4-.Ltmp1, $4  }
0xda: {  	[sflag:s25] =	ssyncadd.s32 $0xFFFFC000  }
0xdb: {  	[spmem:s2] =	stream.indirect.scatter.add.f32 [tilespmem:s24], [sflag:$0x3], $0x80, s7, s15, $0xb8;
	[tilespmem:$0x1C800] =	vst v63  }
0xdc: {  	_ =	swait.ge [sflag:s14], $0x4000  }
0xdd: {  	s9 =	smov.u32 s8;
	s10 =	smov.u32 s11;
	[sflag:s14] =	ssyncset.done $0x0  }
0xde: {  	s5 =	sadd.s32 s9, s12;
	[sflag:s14] =	ssyncadd.s32 $0xFFFFC000  }
0xdf: {  	[tilespmem:s21], [sflag:$0x3] =	stream.linear.gather [hbm4b:s5+s3], $0x400, $0x38;
	[tilespmem:$0x1C800] =	vst v63  }
0xe0: {  	_ =	swait.ge [sflag:s14], $0x400  }
0xe1: {  	s8 =	rddreg [dreg:$0x3];
	[sflag:s14] =	ssyncset.done $0x0  }
0xe2: {  	s5 =	sadd.s32 s9, s8;
	[sflag:s14] =	ssyncadd.s32 $0xFFFFFC00  }
0xe3: {  	[tilespmem:s13], [sflag:$0x3] =	stream.linear.gather [hbm4b:s5+s3], $0x400, $0x38;
	[tilespmem:$0x1C800] =	vst v63  }
0xe4: {  	_ =	swait.ge [sflag:s14], $0x400  }
0xe5: {  	[sflag:s14] =	ssyncset.done $0x0  }
0xe6: {  	[sflag:s14] =	ssyncadd.s32 $0xFFFFFC00  }
0xe7: {  	[tilespmem:s16], [sflag:$0x1] =	stream.indirect.gather [hbm4b:s4+s15], $0x80, s21, s15, $0xb8;
	[tilespmem:$0x1C800] =	vst v63  }
0xe8: {  	_ =	swait.ge [sflag:s22], $0x4000  }
0xe9: {  	[sflag:s22] =	ssyncset.done $0x0  }
0xea: {  	[sflag:s22] =	ssyncadd.s32 $0xFFFFC000  }
0xeb: {  	[tilespmem:s24], [sflag:$0x2] =	stream.indirect.gather [hbm4b:s4+s15], $0x80, s23, s15, $0xb8;
	[tilespmem:$0x1C800] =	vst v63  }
0xec: {  	_ = 	snop  }
0xed: {  	[spmem:s2] =	stream.indirect.scatter.add.f32 [tilespmem:s16], [sflag:$0x3], $0x80, s13, s15, $0xb8;
	[tilespmem:$0x1C800] =	vst v63  }
0xee: {  	_ =	swait.ge [sflag:s14], $0x4000  }
0xef: {  	[sflag:s14] =	ssyncset.done $0x0  }
0xf0: {  	[sflag:s14] =	ssyncadd.s32 $0xFFFFC000  }
0xf1: {  	_ =	swait.ge [sflag:s25], $0x4000  }
0xf2: {  	[sflag:s25] =	ssyncset.done $0x0  }
0xf3: {  	[sflag:s25] =	ssyncadd.s32 $0xFFFFC000  }
0xf4: {  	[tilespmem:s16], [sflag:$0x1] =	stream.indirect.gather [hbm4b:s4+s15], $0x80, s26, s15, $0xb8;
	[tilespmem:$0x1C800] =	vst v63  }
0xf5: {  	_ = 	snop  }
0xf6: {  	[spmem:s2] =	stream.indirect.scatter.add.f32 [tilespmem:s24], [sflag:$0x3], $0x80, s17, s15, $0xb8;
	[tilespmem:$0x1C800] =	vst v63  }
0xf7: {  	_ =	swait.ge [sflag:s14], $0x4000  }
0xf8: {  	[sflag:s14] =	ssyncset.done $0x0  }
0xf9: {  	[sflag:s14] =	ssyncadd.s32 $0xFFFFC000  }
0xfa: {  	_ =	swait.ge [sflag:s22], $0x4000  }
0xfb: {  	[sflag:s22] =	ssyncset.done $0x0  }
0xfc: {  	[sflag:s22] =	ssyncadd.s32 $0xFFFFC000  }
0xfd: {  	[tilespmem:s24], [sflag:$0x2] =	stream.indirect.gather [hbm4b:s4+s15], $0x80, s28, s15, $0xb8;
	[tilespmem:$0x1C800] =	vst v63  }
0xfe: {  	_ = 	snop  }
0xff: {  	[spmem:s2] =	stream.indirect.scatter.add.f32 [tilespmem:s16], [sflag:$0x3], $0x80, s18, s15, $0xb8;
	[tilespmem:$0x1C800] =	vst v63  }
0x100: {  	_ =	swait.ge [sflag:s14], $0x4000  }
0x101: {  	[sflag:s14] =	ssyncset.done $0x0  }
0x102: {  	[sflag:s14] =	ssyncadd.s32 $0xFFFFC000  }
0x103: {  	_ =	swait.ge [sflag:s25], $0x4000  }
0x104: {  	[sflag:s25] =	ssyncset.done $0x0  }
0x105: {  	[sflag:s25] =	ssyncadd.s32 $0xFFFFC000  }
0x106: {  	[tilespmem:s16], [sflag:$0x1] =	stream.indirect.gather [hbm4b:s4+s15], $0x80, s29, s15, $0xb8;
	[tilespmem:$0x1C800] =	vst v63  }
0x107: {  	_ = 	snop  }
0x108: {  	[spmem:s2] =	stream.indirect.scatter.add.f32 [tilespmem:s24], [sflag:$0x3], $0x80, s19, s15, $0xb8;
	[tilespmem:$0x1C800] =	vst v63  }
0x109: {  	_ =	swait.ge [sflag:s14], $0x4000  }
0x10a: {  	[sflag:s14] =	ssyncset.done $0x0  }
0x10b: {  	[sflag:s14] =	ssyncadd.s32 $0xFFFFC000  }
0x10c: {  	_ =	swait.ge [sflag:s22], $0x4000  }
0x10d: {  	[sflag:s22] =	ssyncset.done $0x0  }
0x10e: {  	[sflag:s22] =	ssyncadd.s32 $0xFFFFC000  }
0x10f: {  	[tilespmem:s24], [sflag:$0x2] =	stream.indirect.gather [hbm4b:s4+s15], $0x80, s30, s15, $0xb8;
	[tilespmem:$0x1C800] =	vst v63  }
0x110: {  	_ = 	snop  }
0x111: {  	[spmem:s2] =	stream.indirect.scatter.add.f32 [tilespmem:s16], [sflag:$0x3], $0x80, s20, s15, $0xb8;
	[tilespmem:$0x1C800] =	vst v63  }
0x112: {  	_ =	swait.ge [sflag:s14], $0x4000  }
0x113: {  	[sflag:s14] =	ssyncset.done $0x0  }
0x114: {  	[sflag:s14] =	ssyncadd.s32 $0xFFFFC000  }
0x115: {  	_ =	swait.ge [sflag:s25], $0x4000  }
0x116: {  	[sflag:s25] =	ssyncset.done $0x0  }
0x117: {  	[sflag:s25] =	ssyncadd.s32 $0xFFFFC000  }
0x118: {  	[tilespmem:s16], [sflag:$0x1] =	stream.indirect.gather [hbm4b:s4+s15], $0x80, s31, s15, $0xb8;
	[tilespmem:$0x1C800] =	vst v63  }
0x119: {  	_ = 	snop  }
0x11a: {  	[spmem:s2] =	stream.indirect.scatter.add.f32 [tilespmem:s24], [sflag:$0x3], $0x80, s1, s15, $0xb8;
	[tilespmem:$0x1C800] =	vst v63  }
0x11b: {  	_ =	swait.ge [sflag:s14], $0x4000  }
0x11c: {  	[sflag:s14] =	ssyncset.done $0x0  }
0x11d: {  	[sflag:s14] =	ssyncadd.s32 $0xFFFFC000  }
0x11e: {  	_ =	swait.ge [sflag:s22], $0x4000  }
0x11f: {  	[sflag:s22] =	ssyncset.done $0x0  }
0x120: {  	[sflag:s22] =	ssyncadd.s32 $0xFFFFC000  }
0x121: {  	[tilespmem:s24], [sflag:$0x2] =	stream.indirect.gather [hbm4b:s4+s15], $0x80, s0, s15, $0xb8;
	[tilespmem:$0x1C800] =	vst v63  }
0x122: {  	_ = 	snop  }
0x123: {  	[spmem:s2] =	stream.indirect.scatter.add.f32 [tilespmem:s16], [sflag:$0x3], $0x80, s6, s15, $0xb8;
	[tilespmem:$0x1C800] =	vst v63  }
0x124: {  	_ =	swait.ge [sflag:s14], $0x4000  }
0x125: {  	[sflag:s14] =	ssyncset.done $0x0  }
0x126: {  	[sflag:s14] =	ssyncadd.s32 $0xFFFFC000  }
0x127: {  	_ =	swait.ge [sflag:s25], $0x4000  }
0x128: {  	[sflag:s25] =	ssyncset.done $0x0  }
0x129: {  	[sflag:s25] =	ssyncadd.s32 $0xFFFFC000  }
0x12a: {  	[spmem:s2] =	stream.indirect.scatter.add.f32 [tilespmem:s24], [sflag:$0x3], $0x80, s7, s15, $0xb8;
	[tilespmem:$0x1C800] =	vst v63  }
0x12b: {  	_ =	swait.ge [sflag:s14], $0x4000  }
0x12c: {  	[sflag:s14] =	ssyncset.done $0x0  }
0x12d: {  	[sflag:s14] =	ssyncadd.s32 $0xFFFFC000  }
0x12e: {  	[bflag:$0x0] =	sbarrier.arrive $0xFFFF  }
0x12f: {  	s5 =	rddreg [dreg:$0x4]  }
0x130: {  	[tilespmem:s13], [sflag:$0x3] =	stream.linear.gather [hbm4b:s5+s3], $0x400, $0x38;
	[tilespmem:$0x1C800] =	vst v63  }
0x131: {  	_ =	swait.ge [sflag:s14], $0x400  }
0x132: {  	[sflag:s14] =	ssyncset.done $0x0  }
0x133: {  	[sflag:s14] =	ssyncadd.s32 $0xFFFFFC00  }
0x134: {  	[tilespmem:s16], [sflag:$0x3] =	stream.indirect.gather [spmem:s2], $0x80, s13, s15, $0xb8;
	[tilespmem:$0x1C800] =	vst v63  }
0x135: {  	_ =	swait.ge [sflag:s14], $0x4000  }
0x136: {  	[sflag:s14] =	ssyncset.done $0x0  }
0x137: {  	s8 =	rddreg [dreg:$0x6];
	[sflag:s14] =	ssyncadd.s32 $0xFFFFC000  }
0x138: {  	[hbm4b:s8+s3] =	stream.linear.scatter [tilespmem:s16], [sflag:$0x3], $0x4000, $0x38;
	[tilespmem:$0x1C800] =	vst v63  }
0x139: {  	_ =	swait.ge [sflag:s14], $0x4000  }
0x13a: {  	[sflag:s14] =	ssyncset.done $0x0  }
0x13b: {  	[sflag:s14] =	ssyncadd.s32 $0xFFFFC000  }
0x13c: {  	[tilespmem:s16], [sflag:$0x3] =	stream.indirect.gather [spmem:s2], $0x80, s17, s15, $0xb8;
	[tilespmem:$0x1C800] =	vst v63  }
0x13d: {  	_ =	swait.ge [sflag:s14], $0x4000  }
0x13e: {  	[sflag:s14] =	ssyncset.done $0x0  }
0x13f: {  	s9 =	rddreg [dreg:$0x7];
	[sflag:s14] =	ssyncadd.s32 $0xFFFFC000  }
0x140: {  	[hbm4b:s9+s3] =	stream.linear.scatter [tilespmem:s16], [sflag:$0x3], $0x4000, $0x38;
	[tilespmem:$0x1C800] =	vst v63  }
0x141: {  	_ =	swait.ge [sflag:s14], $0x4000  }
0x142: {  	[sflag:s14] =	ssyncset.done $0x0  }
0x143: {  	[sflag:s14] =	ssyncadd.s32 $0xFFFFC000  }
0x144: {  	[tilespmem:s16], [sflag:$0x3] =	stream.indirect.gather [spmem:s2], $0x80, s18, s15, $0xb8;
	[tilespmem:$0x1C800] =	vst v63  }
0x145: {  	_ =	swait.ge [sflag:s14], $0x4000  }
0x146: {  	[sflag:s14] =	ssyncset.done $0x0  }
0x147: {  	s10 =	rddreg [dreg:$0x8];
	[sflag:s14] =	ssyncadd.s32 $0xFFFFC000  }
0x148: {  	[hbm4b:s10+s3] =	stream.linear.scatter [tilespmem:s16], [sflag:$0x3], $0x4000, $0x38;
	[tilespmem:$0x1C800] =	vst v63  }
0x149: {  	_ =	swait.ge [sflag:s14], $0x4000  }
0x14a: {  	[sflag:s14] =	ssyncset.done $0x0  }
0x14b: {  	[sflag:s14] =	ssyncadd.s32 $0xFFFFC000  }
0x14c: {  	[tilespmem:s16], [sflag:$0x3] =	stream.indirect.gather [spmem:s2], $0x80, s19, s15, $0xb8;
	[tilespmem:$0x1C800] =	vst v63  }
0x14d: {  	_ =	swait.ge [sflag:s14], $0x4000  }
0x14e: {  	[sflag:s14] =	ssyncset.done $0x0  }
0x14f: {  	s11 =	rddreg [dreg:$0x9];
	[sflag:s14] =	ssyncadd.s32 $0xFFFFC000  }
0x150: {  	[hbm4b:s11+s3] =	stream.linear.scatter [tilespmem:s16], [sflag:$0x3], $0x4000, $0x38;
	[tilespmem:$0x1C800] =	vst v63  }
0x151: {  	_ =	swait.ge [sflag:s14], $0x4000  }
0x152: {  	[sflag:s14] =	ssyncset.done $0x0  }
0x153: {  	[sflag:s14] =	ssyncadd.s32 $0xFFFFC000  }
0x154: {  	[tilespmem:s16], [sflag:$0x3] =	stream.indirect.gather [spmem:s2], $0x80, s20, s15, $0xb8;
	[tilespmem:$0x1C800] =	vst v63  }
0x155: {  	_ =	swait.ge [sflag:s14], $0x4000  }
0x156: {  	[sflag:s14] =	ssyncset.done $0x0  }
0x157: {  	s9 =	rddreg [dreg:$0xa];
	[sflag:s14] =	ssyncadd.s32 $0xFFFFC000  }
0x158: {  	[hbm4b:s9+s3] =	stream.linear.scatter [tilespmem:s16], [sflag:$0x3], $0x4000, $0x38;
	[tilespmem:$0x1C800] =	vst v63  }
0x159: {  	_ =	swait.ge [sflag:s14], $0x4000  }
0x15a: {  	s10 =	rddreg [dreg:$0xb]  }
0x15b: {  	s11 =	rddreg [dreg:$0x5];
	s9 =	sadd.s32 $0x1, s10  }
0x15c: {  	p0 =	sne.s32 s9, s11  }
.Ltmp2:
0x15d: {  	_ = 	snop;
	(pc) =	sbr.rel @p0 .LBB2_1-.Ltmp2, $3  }
0x15e: {  	_ =	sdelay $0x1  }
0x15f: {  	[sflag:s14] =	ssyncset.done $0x0  }
0x160: {  	[sflag:s14] =	ssyncadd.s32 $0xFFFFC000  }
0x161: {  	_ =	sfence.sel $0x180000  }
0x162: {  	[bflag:$0x0] =	sbarrier.arrive $0xFFFF  }
0x163: {  	_ =	strace $0x90000047  }
0x164: {  	s0 =	stileid.u32;
	[bflag:$0x2] =	sbarrier.arrive $0xFFFF  }
0x165: {  	p0 =	sne.s32 s0, $0x0;
	s0 =	rddreg [dreg:$0x2]  }
0x166: {  	s0 =	sadd.s32 @!p0 $0x100000, s0  }
0x167: {  	[sflag:s0] =	ssyncadd.tile.s32 @!p0 $0x1;
	_ =	shalt  }
.Lfunc_end2:
_tile_overlayer_lowered:
.L_overlay_start_2:
0x168: {  	(tag) =	ssettag $0x2  }
0x169: {  	s0 =	rddreg [dreg:$0x0];
	s2 =	stileid.u32  }
0x16a: {  	s1 =	rddreg [dreg:$0x1];
	p0 =	sne.s32 s2, $0x0  }
0x16b: {  	s3 =	rddreg [dreg:$0x2];
	[bflag:$0x3] =	sbarrier.arrive $0xFFFF;
	s2 =	simm.s32 @!p0 $0x1C03  }
0x16c: {  	[timem:s3], [sflag:s2] =	dma.local @!p0 [hbm:s0], s1  }
0x16d: {  	s0 =	simm.s32 @!p0 $0x3  }
0x16e: {  	_ =	swait.ge @!p0 [sflag:s0], s1  }
0x16f: {  	s1 =	ssub.s32 @!p0 $0x0, s1;
	[sflag:s0] =	ssyncset.done @!p0 $0x0  }
0x170: {  	[sflag:s0] =	ssyncadd.s32 @!p0 s1  }
0x171: {  	[bflag:$0x3] =	sbarrier.arrive $0xFFFF  }
0x172: {  	_ =	shalt  }

// kernel: kernel.9.cloned.1.call-start
scs
__scs_entry_jumppad:
0x0: {  	(pc) =	sbr.rel $0x88, $3  }
0x1: {  	(tag) =	ssettag $0x0;
	lr =	simm.s32 $0x1  }
0x2: {  	[smem:$0x3F96] =	sst lr;
	_ =	strace $0xD0000000  }
0x3: {  	_ = 	snop  }
0x4: {  	_ = 	snop  }
0x5: {  	_ = 	snop  }
0x6: {  	_ = 	snop  }
0x7: {  	_ = 	snop  }
__scs_overlays_trampoline_lowered:
0x8: {  	[smem:$0x3FA5] =	sst s0  }
0x9: {  	[smem:$0x3FA6] =	sst s1  }
0xa: {  	[smem:$0x3FA7] =	sst s2  }
0xb: {  	[smem:$0x3FA8] =	sst s3  }
0xc: {  	[smem:$0x3FA9] =	sst s4  }
0xd: {  	[smem:$0x3FAA] =	sst s5  }
0xe: {  	[smem:$0x3FAB] =	sst s6  }
0xf: {  	[smem:$0x3FAC] =	sst s7  }
0x10: {  	[smem:$0x3FAD] =	sst s8  }
0x11: {  	[smem:$0x3FAE] =	sst s9;
	s0 =	simm.s32 @!p0 $0x0  }
0x12: {  	s1 =	sld [smem:$0x3F94];
	s0 =	simm.s32 @p0 $0x1  }
0x13: {  	[smem:$0x3FAF] =	sst s0;
	s0 =	simm.s32 @!p1 $0x0  }
0x14: {  	s2 =	sld [smem:$0x3F93];
	s0 =	simm.s32 @p1 $0x1  }
0x15: {  	[smem:$0x3FB0] =	sst s0;
	s0 =	simm.s32 @!p2 $0x0  }
0x16: {  	s3 =	sld [smem:$0x3FDB];
	s0 =	simm.s32 @p2 $0x1  }
0x17: {  	s4 =	simm.s32 $0x1BF5;
	[smem:$0x3FB2] =	sst s0  }
0x18: {  	s0 =	sld [smem:$0x3F95];
	_ =	swait.ge [sflag:s4], $0x0  }
0x19: {  	s7 =	sld [smem:$0x3F96]  }
0x1a: {  	s8 =	sadd.s32 $0xFFFFE003, lr  }
0x1b: {  	s9 =	sadd.s32 $0xFFFFFEF7, lr;
	s5 =	simm.s32 $0xFFFFFFFF;
	p2 =	slt.u32 s8, $0xFFFFF086  }
0x1c: {  	p1 =	slt.u32 s9, $0xF7A;
	s5 =	simm.s32 @!p2 $0x0  }
0x1d: {  	s5 =	simm.s32 @p1 $0x1;
	p0 =	seq.s32 s7, s2  }
0x1e: {  	s7 =	smul.u32 @!p0 $0xF7A, s2;
	p2 =	seq.s32 @!p0 s5, $0x0  }
0x1f: {  	s9 =	smul.u32 $0xF7A, s1;
	s8 =	simm.s32 @!p0 $0x1BF5;
	p2 =	por !p2, p0  }
0x20: {  	[sflag:s8] =	ssyncset.s32 @!p0 $0xFFFFF086;
	s6 =	sadd.s32 @!p0 s3, s7;
	s7 =	simm.s32 @!p0 $0x108  }
0x21: {  	s3 =	sadd.s32 s3, s9;
	s6 =	sadd.s32 @!p0 $0x88, s6;
	s7 =	simm.s32 @p2 $0x1082  }
0x22: {  	[simem:s7], [sflag:s8] =	dma.local @!p0 [hbm:s6], $0xF7A  }
0x23: {  	s9 =	sor.u32 $0xD0000000, s2;
	s6 =	simm.s32 $0x108;
	_ =	swait.ge @!p0 [sflag:s8], $0x0  }
0x24: {  	s3 =	sadd.s32 $0x88, s3;
	s6 =	simm.s32 @!p1 $0x1082;
	[sflag:s4] =	ssyncset.s32 $0xFFFFF086  }
0x25: {  	[simem:s6], [sflag:s4] =	dma.local [hbm:s3], $0xF7A  }
0x26: {  	[smem:$0x3F96] =	sst s1;
	(tag) =	ssettag s2;
	_ =	strace s9  }
0x27: {  	s1 =	sld [smem:$0x3FA6]  }
0x28: {  	s2 =	sld [smem:$0x3FA7]  }
0x29: {  	s4 =	sld [smem:$0x3FA9]  }
0x2a: {  	p0 =	seq.s32 s5, $0x0;
	s5 =	sld [smem:$0x3FAA]  }
0x2b: {  	s6 =	sld [smem:$0x3FAB]  }
0x2c: {  	s7 =	sld [smem:$0x3FAC]  }
0x2d: {  	s3 =	simm.s32 $0x108;
	s8 =	sld [smem:$0x3FAD]  }
0x2e: {  	s3 =	simm.s32 @!p0 $0x1082;
	s9 =	sld [smem:$0x3FAE]  }
0x2f: {  	lr =	sadd.s32 s0, s3;
	s0 =	sld [smem:$0x3FA5]  }
0x30: {  	s3 =	sld [smem:$0x3FA8]  }
0x31: {  	[smem:$0x3FB1] =	sst s10  }
0x32: {  	s10 =	sld [smem:$0x3FAF];
	_ =	sdelay $0x3  }
0x33: {  	p0 =	seq.s32 s10, $0x1;
	s10 =	sld [smem:$0x3FB1];
	_ =	sdelay $0x3  }
0x34: {  	[smem:$0x3FB1] =	sst s10  }
0x35: {  	s10 =	sld [smem:$0x3FB0];
	_ =	sdelay $0x3  }
0x36: {  	p1 =	seq.s32 s10, $0x1;
	s10 =	sld [smem:$0x3FB1];
	_ =	sdelay $0x3  }
0x37: {  	[smem:$0x3FB1] =	sst s10  }
0x38: {  	s10 =	sld [smem:$0x3FB2]  }
0x39: {  	_ = 	snop;
	(pc) =	sbr.ind lr, $3  }
0x3a: {  	_ = 	snop  }
0x3b: {  	_ = 	snop  }
0x3c: {  	p2 =	seq.s32 s10, $0x1;
	s10 =	sld [smem:$0x3FB1]  }
0x3d: {  	_ =	shalt  }
0x3e: {  	_ =	shalt  }
0x3f: {  	_ =	shalt  }
0x40: {  	_ =	shalt  }
0x41: {  	_ =	shalt  }
0x42: {  	_ =	shalt  }
0x43: {  	_ =	shalt  }
0x44: {  	_ =	shalt  }
0x45: {  	_ =	shalt  }
0x46: {  	_ =	shalt  }
0x47: {  	_ =	shalt  }
0x48: {  	_ =	shalt  }
0x49: {  	_ =	shalt  }
0x4a: {  	_ =	shalt  }
0x4b: {  	_ =	shalt  }
0x4c: {  	_ =	shalt  }
0x4d: {  	_ =	shalt  }
0x4e: {  	_ =	shalt  }
0x4f: {  	_ =	shalt  }
0x50: {  	_ =	shalt  }
0x51: {  	_ =	shalt  }
0x52: {  	_ =	shalt  }
0x53: {  	_ =	shalt  }
0x54: {  	_ =	shalt  }
0x55: {  	_ =	shalt  }
0x56: {  	_ =	shalt  }
0x57: {  	_ =	shalt  }
0x58: {  	_ =	shalt  }
0x59: {  	_ =	shalt  }
0x5a: {  	_ =	shalt  }
0x5b: {  	_ =	shalt  }
0x5c: {  	_ =	shalt  }
0x5d: {  	_ =	shalt  }
0x5e: {  	_ =	shalt  }
0x5f: {  	_ =	shalt  }
0x60: {  	_ =	shalt  }
0x61: {  	_ =	shalt  }
0x62: {  	_ =	shalt  }
0x63: {  	_ =	shalt  }
0x64: {  	_ =	shalt  }
0x65: {  	_ =	shalt  }
0x66: {  	_ =	shalt  }
0x67: {  	_ =	shalt  }
0x68: {  	_ =	shalt  }
0x69: {  	_ =	shalt  }
0x6a: {  	_ =	shalt  }
0x6b: {  	_ =	shalt  }
0x6c: {  	_ =	shalt  }
0x6d: {  	_ =	shalt  }
0x6e: {  	_ =	shalt  }
0x6f: {  	_ =	shalt  }
0x70: {  	_ =	shalt  }
0x71: {  	_ =	shalt  }
0x72: {  	_ =	shalt  }
0x73: {  	_ =	shalt  }
0x74: {  	_ =	shalt  }
0x75: {  	_ =	shalt  }
0x76: {  	_ =	shalt  }
0x77: {  	_ =	shalt  }
0x78: {  	_ =	shalt  }
0x79: {  	_ =	shalt  }
0x7a: {  	_ =	shalt  }
0x7b: {  	_ =	shalt  }
0x7c: {  	_ =	shalt  }
0x7d: {  	_ =	shalt  }
0x7e: {  	_ =	shalt  }
0x7f: {  	_ =	shalt  }
0x80: {  	_ =	shalt  }
0x81: {  	_ =	shalt  }
0x82: {  	_ =	shalt  }
0x83: {  	_ =	shalt  }
0x84: {  	_ =	shalt  }
0x85: {  	_ =	shalt  }
0x86: {  	_ =	shalt  }
0x87: {  	_ =	shalt  }
.Lfunc_end0:
.L_simem_size_0:
called_computation.1_lowered:
.L_overlay_start_0:
0x88: {  	s2 =	sld [smem:$0x3FD9]  }
0x89: {  	s3 =	sld [smem:$0x3FFE];
	_ =	sdelay $0x1  }
0x8a: {  	s1 =	srdreg.scid  }
0x8b: {  	s0 =	sand.u32 $0x1, s1  }
0x8c: {  	s17 =	sshll.u32 s0, $0xA;
	s2 =	sadd.s32 s3, s2  }
0x8d: {  	s2 =	sadd.s32 s2, s17  }
0x8e: {  	[smem:$0x3FBD] =	sst s2  }
0x8f: {  	_ = 	snop  }
0x90: {  	(tm) =	ssettm $0x1  }
0x91: {  	s18 =	sld [smem:$0x3FFB];
	_ =	sdelay $0x3  }
0x92: {  	_ =	strace s18  }
0x93: {  	s2 =	sld [smem:$0x3FFC];
	_ =	sdelay $0x3  }
0x94: {  	_ =	strace s2  }
0x95: {  	s2 =	sld [smem:$0x3FFD];
	_ =	sdelay $0x3  }
0x96: {  	_ =	strace s2  }
0x97: {  	_ =	strace $0x8FFFFFFF  }
0x98: {  	s19 =	sld [smem:$0x3FDB];
	_ =	sdelay $0x1  }
0x99: {  	s20 =	simm.s32 $_scs_section_size  }
0x9a: {  	s4 =	simm.s32 $_size__tile_overlayer_lowered;
	s5 =	simm.s32 $_tile_overlayer_lowered  }
0x9b: {  	s6 =	simm.s32 $0x1BFF;
	s21 =	sshll.u32 s5, $0x1;
	s3 =	sadd.s32 s20, s19  }
0x9c: {  	s22 =	simm.s32 $0x0;
	s4 =	sshll.u32 s4, $0x1;
	s5 =	sadd.s32 s21, s3  }
0x9d: {  	[timem:s22], [sflag:s6] =	dma.local [hbm:s5], s4  }
0x9e: {  	_ =	swait.ge [sflag:s6], s4  }
0x9f: {  	s4 =	ssub.s32 $0x0, s4;
	[sflag:s6] =	ssyncset.done $0x0  }
0xa0: {  	[sflag:s6] =	ssyncadd.s32 s4;
	_ =	sdelay $0x1  }
0xa1: {  	s23 =	simm.s32 $0x1B8B  }
0xa2: {  	_ =	swait.ge [sflag:s23], $0x1  }
0xa3: {  	[sflag:s23] =	ssyncset.done $0x0  }
0xa4: {  	[sflag:s23] =	ssyncadd.s32 $0xFFFFFFFF  }
0xa5: {  	s4 =	sld [smem:$0x0]  }
0xa6: {  	s5 =	sand.u32 $0xFFFFFFFE, s1  }
0xa7: {  	p0 =	sne.s32 s1, s5  }
0xa8: {  	s5 =	sshll.u32 @p0 s5, $0xE  }
0xa9: {  	s5 =	sadd.s32 @p0 $0x11B8D, s5;
	s6 =	sshll.u32 @p0 s4, $0x11  }
0xaa: {  	s5 =	sor.u32 @p0 s6, s5  }
0xab: {  	[sflag:s5] =	ssyncadd.remote.s32 @p0 $0x1;
	_ =	sdelay $0x1  }
0xac: {  	s5 =	simm.s32 @p0 $0x1B8D  }
0xad: {  	_ =	swait.eq @p0 [sflag:s5], $0x1  }
0xae: {  	[sflag:s5] =	ssyncadd.s32 @p0 $0xFFFFFFFF  }
0xaf: {  	s6 =	sshll.u32 @!p0 s1, $0xE  }
0xb0: {  	s6 =	sor.u32 @!p0 $0x4000, s6;
	s5 =	simm.s32 @!p0 $0x1B8D  }
0xb1: {  	s4 =	sshll.u32 @!p0 s4, $0x11;
	s6 =	sadd.s32 @!p0 $0x11B8D, s6;
	_ =	swait.eq @!p0 [sflag:s5], $0x1  }
0xb2: {  	s4 =	sor.u32 @!p0 s4, s6;
	[sflag:s5] =	ssyncadd.s32 @!p0 $0xFFFFFFFF  }
0xb3: {  	s25 =	simm.s32 $0x1B8E;
	s24 =	sld [smem:$0x3FFE];
	[sflag:s4] =	ssyncadd.remote.s32 @!p0 $0x1  }
0xb4: {  	s26 =	simm.s32 $execute0_lowered;
	[smem:$0x3FD2] =	sst s25  }
0xb5: {  	s5 =	sshll.u32 s26, $0x1;
	_ =	strace $0x80000049;
	[dreg:$0x1] =	wrdreg $0xFFFFFFFF  }
0xb6: {  	s28 =	simm.s32 $_size_execute0_lowered;
	s3 =	sadd.s32 s3, s5;
	[dreg:$0x0] =	wrdreg $0x0  }
0xb7: {  	s5 =	sshll.u32 s28, $0x1;
	[dreg:$0x2] =	wrdreg s3  }
0xb8: {  	[dreg:$0x3] =	wrdreg s5  }
0xb9: {  	[dreg:$0x4] =	wrdreg $0xC0  }
0xba: {  	_ =	task [dreg:s22], $0x5FFFF  }
0xbb: {  	[dreg:$0x1] =	wrdreg $0xFFFFFFFF  }
0xbc: {  	[dreg:$0x0] =	wrdreg $0x60  }
0xbd: {  	[dreg:$0x2] =	wrdreg s24  }
0xbe: {  	[dreg:$0x3] =	wrdreg $0x0  }
0xbf: {  	[dreg:$0x4] =	wrdreg $0xA  }
0xc0: {  	_ =	task.clear_ibuf [dreg:s22], $0x5FFFF;
	_ =	strace $0x90000049  }
0xc1: {  	s29 =	simm.s32 $0xA;
	_ =	strace $0x8000004B  }
0xc2: {  	_ =	swait.ge [sflag:s29], $0x1  }
0xc3: {  	[sflag:s29] =	ssyncadd.s32 $0xFFFFFFFF  }
0xc4: {  	_ =	strace $0x9000004B  }
0xc5: {  	_ =	sfence  }
0xc6: {  	s30 =	sld [smem:$0x0];
	_ =	sdelay $0x2  }
0xc7: {  	s31 =	sshll.u32 s1, $0xD;
	s1 =	sshrl.u32 s1, $0x2  }
0xc8: {  	s4 =	sand.u32 $0x4000, s31;
	s1 =	sadd.s32 s1, s30  }
0xc9: {  	s0 =	sor.u32 s4, s0;
	s1 =	sshll.u32 s1, $0x11  }
0xca: {  	s0 =	sor.u32 s1, s0  }
0xcb: {  	s0 =	sadd.s32 $0x8F2B, s0  }
0xcc: {  	[sflag:s0] =	ssyncadd.remote.s32 $0x1  }
0xcd: {  	_ =	sfence.sel $0xFFFF  }
0xce: {  	[dreg:$0x0] =	wrdreg $0xFFFFFFFF;
	(pc) =	sbr.abs _section_cstart, $3  }
0xcf: {  	[dreg:$0x1] =	wrdreg $0xFFFFFFFF  }
0xd0: {  	_ =	task.clear_ibuf [dreg:s22], $0x2FFFF;
	_ =	strace $0x9FFFFFFF  }
0xd1: {  	(tm) =	ssettm $0x7FFFFFFF  }
tec
execute0_lowered:
.L_overlay_start_1:
0x0: {  	(tag) =	ssettag $0x1  }
0x1: {  	s0 =	srdreg.scid  }
0x2: {  	s8 =	stileid.u32;
	s1 =	rddreg [dreg:$0x0]  }
0x3: {  	s2 =	rddreg [dreg:$0x1];
	s3 =	simm.s32 $0x0;
	s28 =	simm.s32 $0x14280  }
0x4: {  	s29 =	simm.s32 $0x14300;
	s30 =	simm.s32 $0x14380;
	s4 =	smul.u32 $0x5000, s8  }
0x5: {  	s31 =	simm.s32 $0x0;
	s0 =	sand.u32 $0x1, s0;
	s6 =	smul.u32 $0x14000, s8  }
0x6: {  	[smem:$0x7FF] =	sst s3;
	s15 =	sadd.s32 $0x571000, s1;
	s5 =	smul.u32 $0x2800, s0  }
0x7: {  	s14 =	sshll.u32 s8, $0x7;
	s13 =	smul.u32 $0x140000, s0;
	s0 =	ssub.s32 $0x2, s0  }
0x8: {  	s8 =	smul.u32 $0x280000, s8;
	_ =	strace $0x8000004A;
	s7 =	sshrl.u32 s0, $0x1  }
0x9: {  	s4 =	sadd.s32 s5, s4;
	s6 =	sadd.s32 s13, s6;
	s0 =	ssub.s32 s0, s7  }
0xa: {  	s5 =	sadd.s32 s13, s8;
	s4 =	sshrl.u32 s4, $0x3;
	s6 =	sshrl.u32 s6, $0x3  }
0xb: {  	s0 =	smax.u32 s0, $0x1;
	s17 =	sor.u32 $0x1C000, s5;
	s18 =	sor.u32 $0x18000, s5  }
0xc: {  	s20 =	sor.u32 $0x14000, s5;
	s12 =	sor.u32 $0x10000, s5;
	s23 =	sor.u32 $0xC000, s5  }
0xd: {  	s25 =	sor.u32 $0x8000, s5;
	s26 =	sor.u32 $0x4000, s5;
	s5 =	sshrl.u32 s5, $0x3  }
0xe: {  	s11 =	sadd.s32 s4, s1;
	s4 =	sadd.s32 s14, s1;
	s1 =	sadd.s32 s6, s1  }
0xf: {  	[dreg:$0x7] =	wrdreg s0;
	s0 =	sshrl.u32 s17, $0x3;
	s19 =	sshrl.u32 s18, $0x3  }
0x10: {  	s22 =	sshrl.u32 s12, $0x3;
	s24 =	sshrl.u32 s23, $0x3;
	s17 =	simm.s32 $0x3  }
0x11: {  	s18 =	simm.s32 $0x80;
	s23 =	simm.s32 $0x14200;
	s4 =	sadd.s32 $0x3600, s4  }
0x12: {  	s16 =	sadd.s32 $0x8F000, s1;
	s7 =	sadd.s32 $0x8F800, s1;
	s8 =	sadd.s32 $0x90000, s1  }
0x13: {  	s9 =	sadd.s32 $0x90800, s1;
	s10 =	sadd.s32 $0x91000, s1;
	s0 =	sadd.s32 s0, s15  }
0x14: {  	s1 =	sshrl.u32 s20, $0x3;
	s12 =	sadd.s32 s24, s15;
	[dreg:$0x8] =	wrdreg s16  }
0x15: {  	s20 =	simm.s32 $0x14080;
	s24 =	simm.s32 $0x1;
	[dreg:$0x3] =	wrdreg s0  }
0x16: {  	s0 =	sadd.s32 s19, s15;
	s21 =	sadd.s32 s1, s15;
	s1 =	sadd.s32 s22, s15  }
0x17: {  	s16 =	simm.s32 $0x14000;
	s19 =	simm.s32 $0x14400;
	[dreg:$0x4] =	wrdreg s0  }
0x18: {  	s22 =	simm.s32 $0x14180;
	[dreg:$0x5] =	wrdreg s21;
	s0 =	sadd.s32 $0x3E00, s11  }
0x19: {  	[dreg:$0x6] =	wrdreg s1;
	s1 =	sshrl.u32 s25, $0x3;
	s11 =	sshrl.u32 s26, $0x3  }
0x1a: {  	s21 =	simm.s32 $0x14100;
	s25 =	simm.s32 $0x18400;
	s26 =	simm.s32 $0x2  }
0x1b: {  	v0 =	vimm.f32 $0.0e+00;
	s13 =	sadd.s32 s1, s15;
	s14 =	sadd.s32 s11, s15;
	s15 =	sadd.s32 s5, s15  }
.LBB2_1:
0x1c: {  	s1 =	simm.s32 $0x0;
	s5 =	simm.s32 $0x200  }
.LBB2_2:
0x1d: {  	p0 =	sne.s32 s5, $0xFE00;
	[tilespmem:s1+$0x14470] =	vst v0  }
0x1e: {  	[tilespmem:s1+$0x14400] =	vst v0  }
0x1f: {  	[tilespmem:s1+$0x14410] =	vst v0  }
.Ltmp0:
0x20: {  	[tilespmem:s1+$0x14420] =	vst v0;
	(pc) =	sbr.rel @p0 .LBB2_2-.Ltmp0, $4  }
0x21: {  	[tilespmem:s1+$0x14430] =	vst v0  }
0x22: {  	[tilespmem:s1+$0x14440] =	vst v0  }
0x23: {  	[tilespmem:s1+$0x14450] =	vst v0  }
0x24: {  	[tilespmem:s1+$0x14460] =	vst v0;
	s1 =	sshra.s32 s5, $0x2;
	s5 =	sadd.s32 $0x200, s5  }
0x25: {  	[tilespmem:s1+$0x14470] =	vst v0  }
0x26: {  	[tilespmem:s1+$0x14400] =	vst v0  }
0x27: {  	[tilespmem:s1+$0x14410] =	vst v0  }
0x28: {  	[tilespmem:s1+$0x14420] =	vst v0  }
0x29: {  	[tilespmem:s1+$0x14430] =	vst v0  }
0x2a: {  	[tilespmem:s1+$0x14440] =	vst v0  }
0x2b: {  	[tilespmem:s1+$0x14450] =	vst v0  }
0x2c: {  	[tilespmem:s1+$0x14460] =	vst v0;
	s5 =	simm.s32 $0x0  }
0x2d: {  	[tilespmem:s16], [sflag:$0x3] =	stream.linear.gather [hbm4b:s4+s5], $0x400, $0x38;
	[tilespmem:$0x1C400] =	vst v63  }
0x2e: {  	_ =	swait.ge [sflag:s17], $0x400  }
0x2f: {  	[sflag:s17] =	ssyncset.done $0x0  }
0x30: {  	[sflag:s17] =	ssyncadd.s32 $0xFFFFFC00  }
0x31: {  	[spmem:s2] =	stream.indirect.scatter [tilespmem:s19], [sflag:$0x3], $0x80, s16, s18, $0xb8;
	[tilespmem:$0x1C400] =	vst v63  }
0x32: {  	_ =	swait.ge [sflag:s17], $0x4000  }
0x33: {  	[sflag:s17] =	ssyncset.done $0x0  }
0x34: {  	[sflag:s17] =	ssyncadd.s32 $0xFFFFC000  }
0x35: {  	[spmem:s2] =	stream.indirect.scatter [tilespmem:s19], [sflag:$0x3], $0x80, s20, s18, $0xb8;
	[tilespmem:$0x1C400] =	vst v63  }
0x36: {  	_ =	swait.ge [sflag:s17], $0x4000  }
0x37: {  	[sflag:s17] =	ssyncset.done $0x0  }
0x38: {  	[sflag:s17] =	ssyncadd.s32 $0xFFFFC000  }
0x39: {  	[spmem:s2] =	stream.indirect.scatter [tilespmem:s19], [sflag:$0x3], $0x80, s21, s18, $0xb8;
	[tilespmem:$0x1C400] =	vst v63  }
0x3a: {  	_ =	swait.ge [sflag:s17], $0x4000  }
0x3b: {  	[sflag:s17] =	ssyncset.done $0x0  }
0x3c: {  	[sflag:s17] =	ssyncadd.s32 $0xFFFFC000  }
0x3d: {  	[spmem:s2] =	stream.indirect.scatter [tilespmem:s19], [sflag:$0x3], $0x80, s22, s18, $0xb8;
	[tilespmem:$0x1C400] =	vst v63  }
0x3e: {  	_ =	swait.ge [sflag:s17], $0x4000  }
0x3f: {  	[sflag:s17] =	ssyncset.done $0x0  }
0x40: {  	[sflag:s17] =	ssyncadd.s32 $0xFFFFC000  }
0x41: {  	[spmem:s2] =	stream.indirect.scatter [tilespmem:s19], [sflag:$0x3], $0x80, s23, s18, $0xb8;
	[tilespmem:$0x1C400] =	vst v63  }
0x42: {  	_ =	swait.ge [sflag:s17], $0x4000  }
0x43: {  	[sflag:s17] =	ssyncset.done $0x0  }
0x44: {  	[sflag:s17] =	ssyncadd.s32 $0xFFFFC000  }
0x45: {  	[bflag:$0x0] =	sbarrier.arrive $0xFFFF  }
0x46: {  	[tilespmem:s16], [sflag:$0x3] =	stream.linear.gather [hbm4b:s0+s3], $0x400, $0x38;
	[tilespmem:$0x1C400] =	vst v63  }
0x47: {  	_ =	swait.ge [sflag:s17], $0x400  }
0x48: {  	[sflag:s17] =	ssyncset.done $0x0  }
0x49: {  	s6 =	sadd.s32 $0x0, s15;
	[sflag:s17] =	ssyncadd.s32 $0xFFFFFC00  }
0x4a: {  	[tilespmem:s19], [sflag:$0x1] =	stream.linear.gather [hbm4b:s6+s3], $0x4000, $0x38;
	[tilespmem:$0x1C400] =	vst v63  }
0x4b: {  	_ =	swait.ge [sflag:s24], $0x4000  }
0x4c: {  	[sflag:s24] =	ssyncset.done $0x0  }
0x4d: {  	s11 =	sadd.s32 $0x0, s14;
	[sflag:s24] =	ssyncadd.s32 $0xFFFFC000  }
0x4e: {  	[tilespmem:s25], [sflag:$0x2] =	stream.linear.gather [hbm4b:s11+s3], $0x4000, $0x38;
	[tilespmem:$0x1C400] =	vst v63  }
0x4f: {  	_ = 	snop  }
0x50: {  	[spmem:s2] =	stream.indirect.scatter.add.f32 [tilespmem:s19], [sflag:$0x3], $0x80, s16, s18, $0xb8;
	[tilespmem:$0x1C400] =	vst v63  }
0x51: {  	_ =	swait.ge [sflag:s17], $0x4000  }
0x52: {  	[sflag:s17] =	ssyncset.done $0x0  }
0x53: {  	[sflag:s17] =	ssyncadd.s32 $0xFFFFC000  }
0x54: {  	_ =	swait.ge [sflag:s26], $0x4000  }
0x55: {  	[sflag:s26] =	ssyncset.done $0x0  }
0x56: {  	s5 =	sadd.s32 $0x0, s13;
	[sflag:s26] =	ssyncadd.s32 $0xFFFFC000  }
0x57: {  	[tilespmem:s19], [sflag:$0x1] =	stream.linear.gather [hbm4b:s5+s3], $0x4000, $0x38;
	[tilespmem:$0x1C400] =	vst v63  }
0x58: {  	_ = 	snop  }
0x59: {  	[spmem:s2] =	stream.indirect.scatter.add.f32 [tilespmem:s25], [sflag:$0x3], $0x80, s20, s18, $0xb8;
	[tilespmem:$0x1C400] =	vst v63  }
0x5a: {  	_ =	swait.ge [sflag:s17], $0x4000  }
0x5b: {  	[sflag:s17] =	ssyncset.done $0x0  }
0x5c: {  	[sflag:s17] =	ssyncadd.s32 $0xFFFFC000  }
0x5d: {  	_ =	swait.ge [sflag:s24], $0x4000  }
0x5e: {  	[sflag:s24] =	ssyncset.done $0x0  }
0x5f: {  	s6 =	sadd.s32 $0x0, s12;
	[sflag:s24] =	ssyncadd.s32 $0xFFFFC000  }
0x60: {  	[tilespmem:s25], [sflag:$0x2] =	stream.linear.gather [hbm4b:s6+s3], $0x4000, $0x38;
	[tilespmem:$0x1C400] =	vst v63  }
0x61: {  	_ = 	snop  }
0x62: {  	[spmem:s2] =	stream.indirect.scatter.add.f32 [tilespmem:s19], [sflag:$0x3], $0x80, s21, s18, $0xb8;
	[tilespmem:$0x1C400] =	vst v63  }
0x63: {  	_ =	swait.ge [sflag:s17], $0x4000  }
0x64: {  	[sflag:s17] =	ssyncset.done $0x0  }
0x65: {  	[sflag:s17] =	ssyncadd.s32 $0xFFFFC000  }
0x66: {  	_ =	swait.ge [sflag:s26], $0x4000  }
0x67: {  	s11 =	rddreg [dreg:$0x6];
	[sflag:s26] =	ssyncset.done $0x0  }
0x68: {  	[sflag:s26] =	ssyncadd.s32 $0xFFFFC000;
	s1 =	sadd.s32 $0x0, s11  }
0x69: {  	[tilespmem:s19], [sflag:$0x1] =	stream.linear.gather [hbm4b:s1+s3], $0x4000, $0x38;
	[tilespmem:$0x1C400] =	vst v63  }
0x6a: {  	_ = 	snop  }
0x6b: {  	[spmem:s2] =	stream.indirect.scatter.add.f32 [tilespmem:s25], [sflag:$0x3], $0x80, s22, s18, $0xb8;
	[tilespmem:$0x1C400] =	vst v63  }
0x6c: {  	_ =	swait.ge [sflag:s17], $0x4000  }
0x6d: {  	[sflag:s17] =	ssyncset.done $0x0  }
0x6e: {  	[sflag:s17] =	ssyncadd.s32 $0xFFFFC000  }
0x6f: {  	_ =	swait.ge [sflag:s24], $0x4000  }
0x70: {  	s5 =	rddreg [dreg:$0x5];
	[sflag:s24] =	ssyncset.done $0x0  }
0x71: {  	[sflag:s24] =	ssyncadd.s32 $0xFFFFC000;
	s1 =	sadd.s32 $0x0, s5  }
0x72: {  	[tilespmem:s25], [sflag:$0x2] =	stream.linear.gather [hbm4b:s1+s3], $0x4000, $0x38;
	[tilespmem:$0x1C400] =	vst v63  }
0x73: {  	_ = 	snop  }
0x74: {  	[spmem:s2] =	stream.indirect.scatter.add.f32 [tilespmem:s19], [sflag:$0x3], $0x80, s23, s18, $0xb8;
	[tilespmem:$0x1C400] =	vst v63  }
0x75: {  	_ =	swait.ge [sflag:s17], $0x4000  }
0x76: {  	[sflag:s17] =	ssyncset.done $0x0  }
0x77: {  	[sflag:s17] =	ssyncadd.s32 $0xFFFFC000  }
0x78: {  	_ =	swait.ge [sflag:s26], $0x4000  }
0x79: {  	s6 =	rddreg [dreg:$0x4];
	[sflag:s26] =	ssyncset.done $0x0  }
0x7a: {  	[sflag:s26] =	ssyncadd.s32 $0xFFFFC000;
	s1 =	sadd.s32 $0x0, s6  }
0x7b: {  	[tilespmem:s19], [sflag:$0x1] =	stream.linear.gather [hbm4b:s1+s3], $0x4000, $0x38;
	[tilespmem:$0x1C400] =	vst v63  }
0x7c: {  	_ = 	snop  }
0x7d: {  	[spmem:s2] =	stream.indirect.scatter.add.f32 [tilespmem:s25], [sflag:$0x3], $0x80, s28, s18, $0xb8;
	[tilespmem:$0x1C400] =	vst v63  }
0x7e: {  	_ =	swait.ge [sflag:s17], $0x4000  }
0x7f: {  	[sflag:s17] =	ssyncset.done $0x0  }
0x80: {  	[sflag:s17] =	ssyncadd.s32 $0xFFFFC000  }
0x81: {  	_ =	swait.ge [sflag:s24], $0x4000  }
0x82: {  	s11 =	rddreg [dreg:$0x3];
	[sflag:s24] =	ssyncset.done $0x0  }
0x83: {  	[sflag:s24] =	ssyncadd.s32 $0xFFFFC000;
	s1 =	sadd.s32 $0x0, s11  }
0x84: {  	[tilespmem:s25], [sflag:$0x2] =	stream.linear.gather [hbm4b:s1+s3], $0x4000, $0x38;
	[tilespmem:$0x1C400] =	vst v63  }
0x85: {  	_ = 	snop  }
0x86: {  	[spmem:s2] =	stream.indirect.scatter.add.f32 [tilespmem:s19], [sflag:$0x3], $0x80, s29, s18, $0xb8;
	[tilespmem:$0x1C400] =	vst v63  }
0x87: {  	_ =	swait.ge [sflag:s17], $0x4000  }
0x88: {  	[sflag:s17] =	ssyncset.done $0x0  }
0x89: {  	[sflag:s17] =	ssyncadd.s32 $0xFFFFC000  }
0x8a: {  	_ =	swait.ge [sflag:s26], $0x4000  }
0x8b: {  	[sflag:s26] =	ssyncset.done $0x0  }
0x8c: {  	[sflag:s26] =	ssyncadd.s32 $0xFFFFC000  }
0x8d: {  	[spmem:s2] =	stream.indirect.scatter.add.f32 [tilespmem:s25], [sflag:$0x3], $0x80, s30, s18, $0xb8;
	[tilespmem:$0x1C400] =	vst v63  }
0x8e: {  	_ =	swait.ge [sflag:s17], $0x4000  }
0x8f: {  	s11 =	smov.u32 s0;
	s1 =	simm.s32 $0x4000;
	[sflag:s17] =	ssyncset.done $0x0  }
.LBB2_4:
0x90: {  	[sflag:s17] =	ssyncadd.s32 $0xFFFFC000;
	s11 =	sadd.s32 $0x80, s11  }
0x91: {  	[tilespmem:s16], [sflag:$0x3] =	stream.linear.gather [hbm4b:s11+s3], $0x400, $0x38;
	[tilespmem:$0x1C400] =	vst v63  }
0x92: {  	_ =	swait.ge [sflag:s17], $0x400  }
0x93: {  	s5 =	smov.u32 s1;
	[sflag:s17] =	ssyncset.done $0x0  }
0x94: {  	s6 =	sadd.s32 s5, s15;
	[sflag:s17] =	ssyncadd.s32 $0xFFFFFC00  }
0x95: {  	[tilespmem:s19], [sflag:$0x1] =	stream.linear.gather [hbm4b:s6+s3], $0x4000, $0x38;
	[tilespmem:$0x1C400] =	vst v63  }
0x96: {  	_ =	swait.ge [sflag:s24], $0x4000  }
0x97: {  	[sflag:s24] =	ssyncset.done $0x0  }
0x98: {  	s6 =	sadd.s32 s5, s14;
	[sflag:s24] =	ssyncadd.s32 $0xFFFFC000  }
0x99: {  	[tilespmem:s25], [sflag:$0x2] =	stream.linear.gather [hbm4b:s6+s3], $0x4000, $0x38;
	[tilespmem:$0x1C400] =	vst v63  }
0x9a: {  	_ = 	snop  }
0x9b: {  	[spmem:s2] =	stream.indirect.scatter.add.f32 [tilespmem:s19], [sflag:$0x3], $0x80, s16, s18, $0xb8;
	[tilespmem:$0x1C400] =	vst v63  }
0x9c: {  	_ =	swait.ge [sflag:s17], $0x4000  }
0x9d: {  	[sflag:s17] =	ssyncset.done $0x0  }
0x9e: {  	[sflag:s17] =	ssyncadd.s32 $0xFFFFC000  }
0x9f: {  	_ =	swait.ge [sflag:s26], $0x4000  }
0xa0: {  	[sflag:s26] =	ssyncset.done $0x0  }
0xa1: {  	s6 =	sadd.s32 s5, s13;
	[sflag:s26] =	ssyncadd.s32 $0xFFFFC000  }
0xa2: {  	[tilespmem:s19], [sflag:$0x1] =	stream.linear.gather [hbm4b:s6+s3], $0x4000, $0x38;
	[tilespmem:$0x1C400] =	vst v63  }
0xa3: {  	_ = 	snop  }
0xa4: {  	[spmem:s2] =	stream.indirect.scatter.add.f32 [tilespmem:s25], [sflag:$0x3], $0x80, s20, s18, $0xb8;
	[tilespmem:$0x1C400] =	vst v63  }
0xa5: {  	_ =	swait.ge [sflag:s17], $0x4000  }
0xa6: {  	[sflag:s17] =	ssyncset.done $0x0  }
0xa7: {  	[sflag:s17] =	ssyncadd.s32 $0xFFFFC000  }
0xa8: {  	_ =	swait.ge [sflag:s24], $0x4000  }
0xa9: {  	[sflag:s24] =	ssyncset.done $0x0  }
0xaa: {  	s6 =	sadd.s32 s5, s12;
	[sflag:s24] =	ssyncadd.s32 $0xFFFFC000  }
0xab: {  	[tilespmem:s25], [sflag:$0x2] =	stream.linear.gather [hbm4b:s6+s3], $0x4000, $0x38;
	[tilespmem:$0x1C400] =	vst v63  }
0xac: {  	_ = 	snop  }
0xad: {  	[spmem:s2] =	stream.indirect.scatter.add.f32 [tilespmem:s19], [sflag:$0x3], $0x80, s21, s18, $0xb8;
	[tilespmem:$0x1C400] =	vst v63  }
0xae: {  	_ =	swait.ge [sflag:s17], $0x4000  }
0xaf: {  	[sflag:s17] =	ssyncset.done $0x0  }
0xb0: {  	[sflag:s17] =	ssyncadd.s32 $0xFFFFC000  }
0xb1: {  	_ =	swait.ge [sflag:s26], $0x4000  }
0xb2: {  	s6 =	rddreg [dreg:$0x6];
	[sflag:s26] =	ssyncset.done $0x0  }
0xb3: {  	[sflag:s26] =	ssyncadd.s32 $0xFFFFC000;
	s6 =	sadd.s32 s5, s6  }
0xb4: {  	[tilespmem:s19], [sflag:$0x1] =	stream.linear.gather [hbm4b:s6+s3], $0x4000, $0x38;
	[tilespmem:$0x1C400] =	vst v63  }
0xb5: {  	_ = 	snop  }
0xb6: {  	[spmem:s2] =	stream.indirect.scatter.add.f32 [tilespmem:s25], [sflag:$0x3], $0x80, s22, s18, $0xb8;
	[tilespmem:$0x1C400] =	vst v63  }
0xb7: {  	_ =	swait.ge [sflag:s17], $0x4000  }
0xb8: {  	[sflag:s17] =	ssyncset.done $0x0  }
0xb9: {  	[sflag:s17] =	ssyncadd.s32 $0xFFFFC000  }
0xba: {  	_ =	swait.ge [sflag:s24], $0x4000  }
0xbb: {  	s6 =	rddreg [dreg:$0x5];
	[sflag:s24] =	ssyncset.done $0x0  }
0xbc: {  	[sflag:s24] =	ssyncadd.s32 $0xFFFFC000;
	s6 =	sadd.s32 s5, s6  }
0xbd: {  	[tilespmem:s25], [sflag:$0x2] =	stream.linear.gather [hbm4b:s6+s3], $0x4000, $0x38;
	[tilespmem:$0x1C400] =	vst v63  }
0xbe: {  	_ = 	snop  }
0xbf: {  	[spmem:s2] =	stream.indirect.scatter.add.f32 [tilespmem:s19], [sflag:$0x3], $0x80, s23, s18, $0xb8;
	[tilespmem:$0x1C400] =	vst v63  }
0xc0: {  	_ =	swait.ge [sflag:s17], $0x4000  }
0xc1: {  	[sflag:s17] =	ssyncset.done $0x0  }
0xc2: {  	[sflag:s17] =	ssyncadd.s32 $0xFFFFC000  }
0xc3: {  	_ =	swait.ge [sflag:s26], $0x4000  }
0xc4: {  	s6 =	rddreg [dreg:$0x4];
	[sflag:s26] =	ssyncset.done $0x0  }
0xc5: {  	[sflag:s26] =	ssyncadd.s32 $0xFFFFC000;
	s6 =	sadd.s32 s5, s6  }
0xc6: {  	[tilespmem:s19], [sflag:$0x1] =	stream.linear.gather [hbm4b:s6+s3], $0x4000, $0x38;
	[tilespmem:$0x1C400] =	vst v63  }
0xc7: {  	_ = 	snop  }
0xc8: {  	[spmem:s2] =	stream.indirect.scatter.add.f32 [tilespmem:s25], [sflag:$0x3], $0x80, s28, s18, $0xb8;
	[tilespmem:$0x1C400] =	vst v63  }
0xc9: {  	_ =	swait.ge [sflag:s17], $0x4000  }
0xca: {  	[sflag:s17] =	ssyncset.done $0x0  }
0xcb: {  	[sflag:s17] =	ssyncadd.s32 $0xFFFFC000  }
0xcc: {  	_ =	swait.ge [sflag:s24], $0x4000  }
0xcd: {  	s6 =	rddreg [dreg:$0x3];
	[sflag:s24] =	ssyncset.done $0x0  }
0xce: {  	[sflag:s24] =	ssyncadd.s32 $0xFFFFC000;
	s5 =	sadd.s32 s5, s6  }
0xcf: {  	[tilespmem:s25], [sflag:$0x2] =	stream.linear.gather [hbm4b:s5+s3], $0x4000, $0x38;
	[tilespmem:$0x1C400] =	vst v63  }
0xd0: {  	_ = 	snop  }
0xd1: {  	[spmem:s2] =	stream.indirect.scatter.add.f32 [tilespmem:s19], [sflag:$0x3], $0x80, s29, s18, $0xb8;
	[tilespmem:$0x1C400] =	vst v63  }
0xd2: {  	_ =	swait.ge [sflag:s17], $0x4000  }
0xd3: {  	[sflag:s17] =	ssyncset.done $0x0  }
0xd4: {  	[sflag:s17] =	ssyncadd.s32 $0xFFFFC000  }
0xd5: {  	p0 =	sne.s32 s1, $0x24000;
	_ =	swait.ge [sflag:s26], $0x4000  }
.Ltmp1:
0xd6: {  	[sflag:s26] =	ssyncset.done $0x0;
	(pc) =	sbr.rel @p0 .LBB2_4-.Ltmp1, $4  }
0xd7: {  	[sflag:s26] =	ssyncadd.s32 $0xFFFFC000  }
0xd8: {  	[spmem:s2] =	stream.indirect.scatter.add.f32 [tilespmem:s25], [sflag:$0x3], $0x80, s30, s18, $0xb8;
	[tilespmem:$0x1C400] =	vst v63  }
0xd9: {  	_ =	swait.ge [sflag:s17], $0x4000  }
0xda: {  	s1 =	sadd.s32 $0x4000, s1;
	[sflag:s17] =	ssyncset.done $0x0  }
0xdb: {  	[sflag:s17] =	ssyncadd.s32 $0xFFFFC000  }
0xdc: {  	[bflag:$0x0] =	sbarrier.arrive $0xFFFF  }
0xdd: {  	[tilespmem:s16], [sflag:$0x3] =	stream.linear.gather [hbm4b:s4+s3], $0x400, $0x38;
	[tilespmem:$0x1C400] =	vst v63  }
0xde: {  	_ =	swait.ge [sflag:s17], $0x400  }
0xdf: {  	[sflag:s17] =	ssyncset.done $0x0  }
0xe0: {  	[sflag:s17] =	ssyncadd.s32 $0xFFFFFC00  }
0xe1: {  	[tilespmem:s19], [sflag:$0x3] =	stream.indirect.gather [spmem:s2], $0x80, s16, s18, $0xb8;
	[tilespmem:$0x1C400] =	vst v63  }
0xe2: {  	_ =	swait.ge [sflag:s17], $0x4000  }
0xe3: {  	[sflag:s17] =	ssyncset.done $0x0  }
0xe4: {  	s1 =	rddreg [dreg:$0x8];
	[sflag:s17] =	ssyncadd.s32 $0xFFFFC000  }
0xe5: {  	[hbm4b:s1+s3] =	stream.linear.scatter [tilespmem:s19], [sflag:$0x3], $0x4000, $0x38;
	[tilespmem:$0x1C400] =	vst v63  }
0xe6: {  	_ =	swait.ge [sflag:s17], $0x4000  }
0xe7: {  	[sflag:s17] =	ssyncset.done $0x0  }
0xe8: {  	[sflag:s17] =	ssyncadd.s32 $0xFFFFC000  }
0xe9: {  	[tilespmem:s19], [sflag:$0x3] =	stream.indirect.gather [spmem:s2], $0x80, s20, s18, $0xb8;
	[tilespmem:$0x1C400] =	vst v63  }
0xea: {  	_ =	swait.ge [sflag:s17], $0x4000  }
0xeb: {  	[sflag:s17] =	ssyncset.done $0x0  }
0xec: {  	[sflag:s17] =	ssyncadd.s32 $0xFFFFC000  }
0xed: {  	[hbm4b:s7+s3] =	stream.linear.scatter [tilespmem:s19], [sflag:$0x3], $0x4000, $0x38;
	[tilespmem:$0x1C400] =	vst v63  }
0xee: {  	_ =	swait.ge [sflag:s17], $0x4000  }
0xef: {  	[sflag:s17] =	ssyncset.done $0x0  }
0xf0: {  	[sflag:s17] =	ssyncadd.s32 $0xFFFFC000  }
0xf1: {  	[tilespmem:s19], [sflag:$0x3] =	stream.indirect.gather [spmem:s2], $0x80, s21, s18, $0xb8;
	[tilespmem:$0x1C400] =	vst v63  }
0xf2: {  	_ =	swait.ge [sflag:s17], $0x4000  }
0xf3: {  	[sflag:s17] =	ssyncset.done $0x0  }
0xf4: {  	[sflag:s17] =	ssyncadd.s32 $0xFFFFC000  }
0xf5: {  	[hbm4b:s8+s3] =	stream.linear.scatter [tilespmem:s19], [sflag:$0x3], $0x4000, $0x38;
	[tilespmem:$0x1C400] =	vst v63  }
0xf6: {  	_ =	swait.ge [sflag:s17], $0x4000  }
0xf7: {  	[sflag:s17] =	ssyncset.done $0x0  }
0xf8: {  	[sflag:s17] =	ssyncadd.s32 $0xFFFFC000  }
0xf9: {  	[tilespmem:s19], [sflag:$0x3] =	stream.indirect.gather [spmem:s2], $0x80, s22, s18, $0xb8;
	[tilespmem:$0x1C400] =	vst v63  }
0xfa: {  	_ =	swait.ge [sflag:s17], $0x4000  }
0xfb: {  	[sflag:s17] =	ssyncset.done $0x0  }
0xfc: {  	[sflag:s17] =	ssyncadd.s32 $0xFFFFC000  }
0xfd: {  	[hbm4b:s9+s3] =	stream.linear.scatter [tilespmem:s19], [sflag:$0x3], $0x4000, $0x38;
	[tilespmem:$0x1C400] =	vst v63  }
0xfe: {  	_ =	swait.ge [sflag:s17], $0x4000  }
0xff: {  	[sflag:s17] =	ssyncset.done $0x0  }
0x100: {  	[sflag:s17] =	ssyncadd.s32 $0xFFFFC000  }
0x101: {  	[tilespmem:s19], [sflag:$0x3] =	stream.indirect.gather [spmem:s2], $0x80, s23, s18, $0xb8;
	[tilespmem:$0x1C400] =	vst v63  }
0x102: {  	_ =	swait.ge [sflag:s17], $0x4000  }
0x103: {  	[sflag:s17] =	ssyncset.done $0x0  }
0x104: {  	[sflag:s17] =	ssyncadd.s32 $0xFFFFC000  }
0x105: {  	[hbm4b:s10+s3] =	stream.linear.scatter [tilespmem:s19], [sflag:$0x3], $0x4000, $0x38;
	[tilespmem:$0x1C400] =	vst v63  }
0x106: {  	_ =	swait.ge [sflag:s17], $0x4000  }
0x107: {  	s31 =	sadd.s32 $0x1, s31;
	s11 =	rddreg [dreg:$0x7]  }
0x108: {  	p0 =	sne.s32 s31, s11  }
.Ltmp2:
0x109: {  	_ = 	snop;
	(pc) =	sbr.rel @p0 .LBB2_1-.Ltmp2, $3  }
0x10a: {  	_ =	sdelay $0x1  }
0x10b: {  	[sflag:s17] =	ssyncset.done $0x0  }
0x10c: {  	[sflag:s17] =	ssyncadd.s32 $0xFFFFC000  }
0x10d: {  	_ =	sfence.sel $0x180000  }
0x10e: {  	[bflag:$0x0] =	sbarrier.arrive $0xFFFF  }
0x10f: {  	_ =	strace $0x9000004A  }
0x110: {  	s0 =	stileid.u32;
	[bflag:$0x2] =	sbarrier.arrive $0xFFFF  }
0x111: {  	p0 =	sne.s32 s0, $0x0;
	s0 =	rddreg [dreg:$0x2]  }
0x112: {  	s0 =	sadd.s32 @!p0 $0x100000, s0  }
0x113: {  	[sflag:s0] =	ssyncadd.tile.s32 @!p0 $0x1;
	_ =	shalt  }
.Lfunc_end2:
_tile_overlayer_lowered:
.L_overlay_start_2:
0x114: {  	(tag) =	ssettag $0x2  }
0x115: {  	s0 =	rddreg [dreg:$0x0];
	s2 =	stileid.u32  }
0x116: {  	s1 =	rddreg [dreg:$0x1];
	p0 =	sne.s32 s2, $0x0  }
0x117: {  	s3 =	rddreg [dreg:$0x2];
	[bflag:$0x3] =	sbarrier.arrive $0xFFFF;
	s2 =	simm.s32 @!p0 $0x1C03  }
0x118: {  	[timem:s3], [sflag:s2] =	dma.local @!p0 [hbm:s0], s1  }
0x119: {  	s0 =	simm.s32 @!p0 $0x3  }
0x11a: {  	_ =	swait.ge @!p0 [sflag:s0], s1  }
0x11b: {  	s1 =	ssub.s32 @!p0 $0x0, s1;
	[sflag:s0] =	ssyncset.done @!p0 $0x0  }
0x11c: {  	[sflag:s0] =	ssyncadd.s32 @!p0 s1  }
0x11d: {  	[bflag:$0x3] =	sbarrier.arrive $0xFFFF  }
0x11e: {  	_ =	shalt  }

</sc_bundles>
